<compile_context>
chip_gen: v7x
topology: tpu7x:2x2x1
jax: 0.10.2.dev20260603
libtpu: 0.0.44.dev20260713+nightly
codegen_flags: <defaults>
</compile_context>

<pallas_src>
import jax
import jax.numpy as jnp
from jax import lax
from jax.experimental import pallas as pl
from jax.experimental.pallas import tpu as pltpu
from jax.experimental.pallas import tpu_sc as plsc

B = 4096
C = 4096
T = 32
Q = 2 * T
P = 128
NC = 2
NS = 16
NW = NC * NS
ROWS_PER_W = B // NW
NBUF = 4
STEPS = ROWS_PER_W // NBUF


def _flip_body(x_hbm, out_hbm, ins, outs, slis, ssos):
    wid = lax.axis_index("s") * NC + lax.axis_index("c")
    row0 = wid * ROWS_PER_W

    def load(g, buf, sem):
        pltpu.async_copy(x_hbm.at[pl.ds(row0 + g, 1)], buf, sem)

    def store(g, buf, sem):
        pltpu.async_copy(buf, out_hbm.at[pl.ds(row0 + g, 1)], sem)

    def wait_load(buf, sem):
        pltpu.make_async_copy(x_hbm.at[pl.ds(0, 1)], buf, sem).wait()

    def wait_store(buf, sem):
        pltpu.make_async_copy(buf, out_hbm.at[pl.ds(0, 1)], sem).wait()

    def compute(in_v, out_v):
        @plsc.parallel_loop(0, Q, 1, unroll=4)
        def _(qo):
            qi = 62 - qo + 2 * (qo & 1)
            for w in range(8):
                vals = in_v[0, qi, pl.ds((7 - w) * 16, 16)]
                out_v[0, qo, pl.ds(w * 16, 16)] = lax.rev(vals, (0,))

    for b in range(NBUF):
        load(b, ins[b], slis[b])

    def step(i, _):
        for b in range(NBUF):
            g = NBUF * i + b
            wait_load(ins[b], slis[b])

            @pl.when(i > 0)
            def _():
                wait_store(outs[b], ssos[b])

            compute(ins[b], outs[b])
            store(g, outs[b], ssos[b])

            @pl.when(i < STEPS - 1)
            def _():
                load(g + NBUF, ins[b], slis[b])

        return 0

    lax.fori_loop(0, STEPS, step, 0)
    for b in range(NBUF):
        wait_store(outs[b], ssos[b])


def _flip_entry(x_hbm, out_hbm, *scratch):
    ins = scratch[0:NBUF]
    outs = scratch[NBUF:2 * NBUF]
    slis = scratch[2 * NBUF:3 * NBUF]
    ssos = scratch[3 * NBUF:4 * NBUF]
    _flip_body(x_hbm, out_hbm, ins, outs, slis, ssos)


@jax.jit
def _flip(xv):
    mesh = plsc.VectorSubcoreMesh(core_axis_name="c", subcore_axis_name="s")
    return pl.kernel(
        _flip_entry,
        out_type=jax.ShapeDtypeStruct((B, Q, P), jnp.float32),
        mesh=mesh,
        scratch_types=(
            [pltpu.VMEM((1, Q, P), jnp.float32)] * (2 * NBUF)
            + [pltpu.SemaphoreType.DMA] * (2 * NBUF)
        ),
        compiler_params=pltpu.CompilerParams(needs_layout_passes=False),
    )(xv)


def kernel(x, c):
    xv = x.reshape(B, T, P, 2).transpose(0, 1, 3, 2).reshape(B, Q, P)
    yv = _flip(xv)
    return yv.reshape(B, T, 2, P).transpose(0, 1, 3, 2).reshape(B, C, 2)

# --- scband reference (transcript-rebuilt; emitter-appended) ---
"""Pipeline reference for scband-permutation-8976481649260 (READ-ONLY COPY).

The authoritative reference and input builder live on the scoring server;
editing this copy changes nothing except your own understanding.
"""

import jax, jax.numpy as jnp
import numpy as np

NUM_CHANNELS = 4096


def setup_inputs(seed: int = 0) -> dict:
    key = jax.random.key(seed)
    k1, k2 = jax.random.split(key)
    x = jax.random.normal(k1, (4096, NUM_CHANNELS, 2), dtype=jnp.float32)
    c = jnp.zeros((4096, 1), dtype=jnp.float32)
    return {"x": x, "c": c}


def reference(x, c):
    # Permutation(num_channels=4096, permutation='flip'):
    #   permutation buffer = arange(num_channels-1, -1, -1)
    #   forward(x, _) -> x[:, permutation]  (gather along channel dim)
    perm = jnp.arange(NUM_CHANNELS - 1, -1, -1)
    y = jnp.take(x, perm, axis=1)
    return y

if __name__ == "__main__":
    import jax
    _d = setup_inputs()
    print(jax.jit(kernel)(*tuple(_d.values())))

</pallas_src>

<mosaic_0001>
#map = affine_map<(d0, d1) -> (0, 0, 0)>
module attributes {stable_mosaic.version = 14 : i64} {
  func.func @_flip_entry(%arg0: i32, %arg1: i32, %arg2: memref<4096x64x128xf32, #tpu.memory_space<hbm>>, %arg3: memref<4096x64x128xf32, #tpu.memory_space<hbm>>, %arg4: memref<1x64x128xf32, #tpu.memory_space<vmem>>, %arg5: memref<1x64x128xf32, #tpu.memory_space<vmem>>, %arg6: memref<1x64x128xf32, #tpu.memory_space<vmem>>, %arg7: memref<1x64x128xf32, #tpu.memory_space<vmem>>, %arg8: memref<1x64x128xf32, #tpu.memory_space<vmem>>, %arg9: memref<1x64x128xf32, #tpu.memory_space<vmem>>, %arg10: memref<1x64x128xf32, #tpu.memory_space<vmem>>, %arg11: memref<1x64x128xf32, #tpu.memory_space<vmem>>, %arg12: memref<!tpu.dma_semaphore, #tpu.memory_space<semaphore_mem>>, %arg13: memref<!tpu.dma_semaphore, #tpu.memory_space<semaphore_mem>>, %arg14: memref<!tpu.dma_semaphore, #tpu.memory_space<semaphore_mem>>, %arg15: memref<!tpu.dma_semaphore, #tpu.memory_space<semaphore_mem>>, %arg16: memref<!tpu.dma_semaphore, #tpu.memory_space<semaphore_mem>>, %arg17: memref<!tpu.dma_semaphore, #tpu.memory_space<semaphore_mem>>, %arg18: memref<!tpu.dma_semaphore, #tpu.memory_space<semaphore_mem>>, %arg19: memref<!tpu.dma_semaphore, #tpu.memory_space<semaphore_mem>>) attributes {dimension_semantics = [#tpu.dimension_semantics<core_parallel>, #tpu.dimension_semantics<subcore_parallel>], iteration_bounds = array<i64: 2, 16>, scalar_prefetch = 0 : i64, scratch_operands = 16 : i64, tpu.core_type = #tpu.core_type<sc_vector_subcore>, window_params = [{transform_indices = #map}, {transform_indices = #map}]} {
    %mul3A = arith.constant 2 : i32
    %mul3A_0 = arith.muli %arg1, %mul3A : i32
    %add3A = arith.addi %mul3A_0, %arg0 : i32
    %mul3A_1 = arith.constant 128 : i32
    %mul3A_2 = arith.muli %add3A, %mul3A_1 : i32
    %add3A_3 = arith.constant 0 : i32
    %add3A_4 = arith.addi %mul3A_2, %add3A_3 : i32
    %dma_start3A = arith.constant 0 : i32
    %dma_start3A_5 = arith.constant 0 : i32
    %dma_start3A_6 = tpu.memref_slice %arg2[%add3A_4, %dma_start3A, %dma_start3A_5] : memref<4096x64x128xf32, #tpu.memory_space<hbm>> -> memref<1x64x128xf32, #tpu.memory_space<hbm>>
    %dma_start3A_7 = arith.constant 0 : i32
    %dma_start3A_8 = arith.constant 0 : i32
    %dma_start3A_9 = tpu.memref_slice %arg2[%add3A_4, %dma_start3A_7, %dma_start3A_8] : memref<4096x64x128xf32, #tpu.memory_space<hbm>> -> memref<1x64x128xf32, #tpu.memory_space<hbm>>
    tpu.enqueue_dma source(%dma_start3A_9 : memref<1x64x128xf32, #tpu.memory_space<hbm>>) target(%arg4 : memref<1x64x128xf32, #tpu.memory_space<vmem>>) target_semaphore(%arg12 : memref<!tpu.dma_semaphore, #tpu.memory_space<semaphore_mem>>)
    %add3A_10 = arith.constant 1 : i32
    %add3A_11 = arith.addi %mul3A_2, %add3A_10 : i32
    %dma_start3A_12 = arith.constant 0 : i32
    %dma_start3A_13 = arith.constant 0 : i32
    %dma_start3A_14 = tpu.memref_slice %arg2[%add3A_11, %dma_start3A_12, %dma_start3A_13] : memref<4096x64x128xf32, #tpu.memory_space<hbm>> -> memref<1x64x128xf32, #tpu.memory_space<hbm>>
    %dma_start3A_15 = arith.constant 0 : i32
    %dma_start3A_16 = arith.constant 0 : i32
    %dma_start3A_17 = tpu.memref_slice %arg2[%add3A_11, %dma_start3A_15, %dma_start3A_16] : memref<4096x64x128xf32, #tpu.memory_space<hbm>> -> memref<1x64x128xf32, #tpu.memory_space<hbm>>
    tpu.enqueue_dma source(%dma_start3A_17 : memref<1x64x128xf32, #tpu.memory_space<hbm>>) target(%arg5 : memref<1x64x128xf32, #tpu.memory_space<vmem>>) target_semaphore(%arg13 : memref<!tpu.dma_semaphore, #tpu.memory_space<semaphore_mem>>)
    %add3A_18 = arith.constant 2 : i32
    %add3A_19 = arith.addi %mul3A_2, %add3A_18 : i32
    %dma_start3A_20 = arith.constant 0 : i32
    %dma_start3A_21 = arith.constant 0 : i32
    %dma_start3A_22 = tpu.memref_slice %arg2[%add3A_19, %dma_start3A_20, %dma_start3A_21] : memref<4096x64x128xf32, #tpu.memory_space<hbm>> -> memref<1x64x128xf32, #tpu.memory_space<hbm>>
    %dma_start3A_23 = arith.constant 0 : i32
    %dma_start3A_24 = arith.constant 0 : i32
    %dma_start3A_25 = tpu.memref_slice %arg2[%add3A_19, %dma_start3A_23, %dma_start3A_24] : memref<4096x64x128xf32, #tpu.memory_space<hbm>> -> memref<1x64x128xf32, #tpu.memory_space<hbm>>
    tpu.enqueue_dma source(%dma_start3A_25 : memref<1x64x128xf32, #tpu.memory_space<hbm>>) target(%arg6 : memref<1x64x128xf32, #tpu.memory_space<vmem>>) target_semaphore(%arg14 : memref<!tpu.dma_semaphore, #tpu.memory_space<semaphore_mem>>)
    %add3A_26 = arith.constant 3 : i32
    %add3A_27 = arith.addi %mul3A_2, %add3A_26 : i32
    %dma_start3A_28 = arith.constant 0 : i32
    %dma_start3A_29 = arith.constant 0 : i32
    %dma_start3A_30 = tpu.memref_slice %arg2[%add3A_27, %dma_start3A_28, %dma_start3A_29] : memref<4096x64x128xf32, #tpu.memory_space<hbm>> -> memref<1x64x128xf32, #tpu.memory_space<hbm>>
    %dma_start3A_31 = arith.constant 0 : i32
    %dma_start3A_32 = arith.constant 0 : i32
    %dma_start3A_33 = tpu.memref_slice %arg2[%add3A_27, %dma_start3A_31, %dma_start3A_32] : memref<4096x64x128xf32, #tpu.memory_space<hbm>> -> memref<1x64x128xf32, #tpu.memory_space<hbm>>
    tpu.enqueue_dma source(%dma_start3A_33 : memref<1x64x128xf32, #tpu.memory_space<hbm>>) target(%arg7 : memref<1x64x128xf32, #tpu.memory_space<vmem>>) target_semaphore(%arg15 : memref<!tpu.dma_semaphore, #tpu.memory_space<semaphore_mem>>)
    %scan3A = arith.constant 0 : i32
    %scan3A_34 = arith.constant 0 : i32
    %scan3A_35 = arith.constant 32 : i32
    %scan3A_36 = arith.addi %scan3A_34, %scan3A_35 : i32
    %scan3A_37 = arith.constant 1 : i32
    %scan3A_38 = scf.for %scan3A_71 = %scan3A_34 to %scan3A_36 step %scan3A_37 iter_args(%scan3A_72 = %scan3A) -> (i32)  : i32 {
      %mul3A_73 = arith.constant 4 : i32
      %mul3A_74 = arith.muli %mul3A_73, %scan3A_71 : i32
      %add3A_75 = arith.constant 0 : i32
      %add3A_76 = arith.addi %mul3A_74, %add3A_75 : i32
      %dma_wait3A_77 = arith.constant 0 : i32
      %dma_wait3A_78 = arith.constant 0 : i32
      %dma_wait3A_79 = arith.constant 0 : i32
      %dma_wait3A_80 = tpu.memref_slice %arg2[%dma_wait3A_77, %dma_wait3A_78, %dma_wait3A_79] : memref<4096x64x128xf32, #tpu.memory_space<hbm>> -> memref<1x64x128xf32, #tpu.memory_space<hbm>>
      %dma_wait3A_81 = arith.constant 0 : i32
      %dma_wait3A_82 = arith.constant 0 : i32
      %dma_wait3A_83 = arith.constant 0 : i32
      %dma_wait3A_84 = tpu.memref_slice %arg2[%dma_wait3A_81, %dma_wait3A_82, %dma_wait3A_83] : memref<4096x64x128xf32, #tpu.memory_space<hbm>> -> memref<1x64x128xf32, #tpu.memory_space<hbm>>
      tpu.wait_dma2 semaphore(%arg12 : memref<!tpu.dma_semaphore, #tpu.memory_space<semaphore_mem>>) src(%dma_wait3A_84 : memref<1x64x128xf32, #tpu.memory_space<hbm>>) dst(%arg4 : memref<1x64x128xf32, #tpu.memory_space<vmem>>)
      %gt3A = arith.constant 0 : i32
      %gt3A_85 = arith.cmpi sgt, %scan3A_71, %gt3A : i32
      %convert_element_type3A = arith.extui %gt3A_85 : i1 to i32
      %cond3A = arith.constant 0 : i32
      %cond3A_86 = arith.cmpi ne, %convert_element_type3A, %cond3A : i32
      scf.if %cond3A_86 {
        %dma_wait3A_197 = arith.constant 0 : i32
        %dma_wait3A_198 = arith.constant 0 : i32
        %dma_wait3A_199 = arith.constant 0 : i32
        %dma_wait3A_200 = tpu.memref_slice %arg3[%dma_wait3A_197, %dma_wait3A_198, %dma_wait3A_199] : memref<4096x64x128xf32, #tpu.memory_space<hbm>> -> memref<1x64x128xf32, #tpu.memory_space<hbm>>
        %dma_wait3A_201 = arith.constant 0 : i32
        %dma_wait3A_202 = arith.constant 0 : i32
        %dma_wait3A_203 = arith.constant 0 : i32
        %dma_wait3A_204 = tpu.memref_slice %arg3[%dma_wait3A_201, %dma_wait3A_202, %dma_wait3A_203] : memref<4096x64x128xf32, #tpu.memory_space<hbm>> -> memref<1x64x128xf32, #tpu.memory_space<hbm>>
        tpu.wait_dma2 semaphore(%arg16 : memref<!tpu.dma_semaphore, #tpu.memory_space<semaphore_mem>>) src(%arg8 : memref<1x64x128xf32, #tpu.memory_space<vmem>>) dst(%dma_wait3A_204 : memref<1x64x128xf32, #tpu.memory_space<hbm>>)
      } else {
      }
      %parallel_loop3A = arith.constant 0 : i32
      %parallel_loop3A_87 = arith.constant 64 : i32
      %parallel_loop3A_88 = arith.constant 1 : i32
      scf.for %parallel_loop3A_197 = %parallel_loop3A to %parallel_loop3A_87 step %parallel_loop3A_88  : i32 {
        %parallel_loop3A_198 = arith.constant 62 : i32
        %parallel_loop3A_199 = arith.subi %parallel_loop3A_198, %parallel_loop3A_197 : i32
        %parallel_loop3A_200 = arith.constant 1 : i32
        %parallel_loop3A_201 = arith.andi %parallel_loop3A_197, %parallel_loop3A_200 : i32
        %parallel_loop3A_202 = arith.constant 2 : i32
        %parallel_loop3A_203 = arith.muli %parallel_loop3A_202, %parallel_loop3A_201 : i32
        %parallel_loop3A_204 = arith.addi %parallel_loop3A_199, %parallel_loop3A_203 : i32
        %parallel_loop3A_205 = arith.constant 0 : i32
        %parallel_loop3A_206 = arith.index_cast %parallel_loop3A_205 : i32 to index
        %parallel_loop3A_207 = arith.index_cast %parallel_loop3A_204 : i32 to index
        %parallel_loop3A_208 = arith.constant 112 : index
        %parallel_loop3A_209 = tpu.vector_load %arg4[%parallel_loop3A_206, %parallel_loop3A_207, %parallel_loop3A_208] {strides = array<i32>} : memref<1x64x128xf32, #tpu.memory_space<vmem>>, vector<16xf32>,
        %parallel_loop3A_210 = arith.constant 15 : i32
        %parallel_loop3A_211 = vector.broadcast %parallel_loop3A_210 : i32 to vector<16xi32>
        %parallel_loop3A_212 = tpu.iota {dimensions = array<i32: 0>} : vector<16xi32>
        %parallel_loop3A_213 = arith.subi %parallel_loop3A_211, %parallel_loop3A_212 : vector<16xi32>
        %parallel_loop3A_214 = tpu.dynamic_gather %parallel_loop3A_209[%parallel_loop3A_213] in [0] : vector<16xf32>, vector<16xi32> -> vector<16xf32>
        %parallel_loop3A_215 = arith.constant 0 : i32
        %parallel_loop3A_216 = arith.index_cast %parallel_loop3A_215 : i32 to index
        %parallel_loop3A_217 = arith.index_cast %parallel_loop3A_197 : i32 to index
        %parallel_loop3A_218 = arith.constant 0 : index
        %parallel_loop3A_219 = tpu.vector_load %arg8[%parallel_loop3A_216, %parallel_loop3A_217, %parallel_loop3A_218] {strides = array<i32>} : memref<1x64x128xf32, #tpu.memory_space<vmem>>, vector<16xf32>,
        tpu.vector_store %arg8[%parallel_loop3A_216, %parallel_loop3A_217, %parallel_loop3A_218], %parallel_loop3A_214 {strides = array<i32>} : memref<1x64x128xf32, #tpu.memory_space<vmem>>, vector<16xf32>,
        %parallel_loop3A_220 = arith.constant 0 : i32
        %parallel_loop3A_221 = arith.index_cast %parallel_loop3A_220 : i32 to index
        %parallel_loop3A_222 = arith.index_cast %parallel_loop3A_204 : i32 to index
        %parallel_loop3A_223 = arith.constant 96 : index
        %parallel_loop3A_224 = tpu.vector_load %arg4[%parallel_loop3A_221, %parallel_loop3A_222, %parallel_loop3A_223] {strides = array<i32>} : memref<1x64x128xf32, #tpu.memory_space<vmem>>, vector<16xf32>,
        %parallel_loop3A_225 = arith.constant 15 : i32
        %parallel_loop3A_226 = vector.broadcast %parallel_loop3A_225 : i32 to vector<16xi32>
        %parallel_loop3A_227 = tpu.iota {dimensions = array<i32: 0>} : vector<16xi32>
        %parallel_loop3A_228 = arith.subi %parallel_loop3A_226, %parallel_loop3A_227 : vector<16xi32>
        %parallel_loop3A_229 = tpu.dynamic_gather %parallel_loop3A_224[%parallel_loop3A_228] in [0] : vector<16xf32>, vector<16xi32> -> vector<16xf32>
        %parallel_loop3A_230 = arith.constant 0 : i32
        %parallel_loop3A_231 = arith.index_cast %parallel_loop3A_230 : i32 to index
        %parallel_loop3A_232 = arith.index_cast %parallel_loop3A_197 : i32 to index
        %parallel_loop3A_233 = arith.constant 16 : index
        %parallel_loop3A_234 = tpu.vector_load %arg8[%parallel_loop3A_231, %parallel_loop3A_232, %parallel_loop3A_233] {strides = array<i32>} : memref<1x64x128xf32, #tpu.memory_space<vmem>>, vector<16xf32>,
        tpu.vector_store %arg8[%parallel_loop3A_231, %parallel_loop3A_232, %parallel_loop3A_233], %parallel_loop3A_229 {strides = array<i32>} : memref<1x64x128xf32, #tpu.memory_space<vmem>>, vector<16xf32>,
        %parallel_loop3A_235 = arith.constant 0 : i32
        %parallel_loop3A_236 = arith.index_cast %parallel_loop3A_235 : i32 to index
        %parallel_loop3A_237 = arith.index_cast %parallel_loop3A_204 : i32 to index
        %parallel_loop3A_238 = arith.constant 80 : index
        %parallel_loop3A_239 = tpu.vector_load %arg4[%parallel_loop3A_236, %parallel_loop3A_237, %parallel_loop3A_238] {strides = array<i32>} : memref<1x64x128xf32, #tpu.memory_space<vmem>>, vector<16xf32>,
        %parallel_loop3A_240 = arith.constant 15 : i32
        %parallel_loop3A_241 = vector.broadcast %parallel_loop3A_240 : i32 to vector<16xi32>
        %parallel_loop3A_242 = tpu.iota {dimensions = array<i32: 0>} : vector<16xi32>
        %parallel_loop3A_243 = arith.subi %parallel_loop3A_241, %parallel_loop3A_242 : vector<16xi32>
        %parallel_loop3A_244 = tpu.dynamic_gather %parallel_loop3A_239[%parallel_loop3A_243] in [0] : vector<16xf32>, vector<16xi32> -> vector<16xf32>
        %parallel_loop3A_245 = arith.constant 0 : i32
        %parallel_loop3A_246 = arith.index_cast %parallel_loop3A_245 : i32 to index
        %parallel_loop3A_247 = arith.index_cast %parallel_loop3A_197 : i32 to index
        %parallel_loop3A_248 = arith.constant 32 : index
        %parallel_loop3A_249 = tpu.vector_load %arg8[%parallel_loop3A_246, %parallel_loop3A_247, %parallel_loop3A_248] {strides = array<i32>} : memref<1x64x128xf32, #tpu.memory_space<vmem>>, vector<16xf32>,
        tpu.vector_store %arg8[%parallel_loop3A_246, %parallel_loop3A_247, %parallel_loop3A_248], %parallel_loop3A_244 {strides = array<i32>} : memref<1x64x128xf32, #tpu.memory_space<vmem>>, vector<16xf32>,
        %parallel_loop3A_250 = arith.constant 0 : i32
        %parallel_loop3A_251 = arith.index_cast %parallel_loop3A_250 : i32 to index
        %parallel_loop3A_252 = arith.index_cast %parallel_loop3A_204 : i32 to index
        %parallel_loop3A_253 = arith.constant 64 : index
        %parallel_loop3A_254 = tpu.vector_load %arg4[%parallel_loop3A_251, %parallel_loop3A_252, %parallel_loop3A_253] {strides = array<i32>} : memref<1x64x128xf32, #tpu.memory_space<vmem>>, vector<16xf32>,
        %parallel_loop3A_255 = arith.constant 15 : i32
        %parallel_loop3A_256 = vector.broadcast %parallel_loop3A_255 : i32 to vector<16xi32>
        %parallel_loop3A_257 = tpu.iota {dimensions = array<i32: 0>} : vector<16xi32>
        %parallel_loop3A_258 = arith.subi %parallel_loop3A_256, %parallel_loop3A_257 : vector<16xi32>
        %parallel_loop3A_259 = tpu.dynamic_gather %parallel_loop3A_254[%parallel_loop3A_258] in [0] : vector<16xf32>, vector<16xi32> -> vector<16xf32>
        %parallel_loop3A_260 = arith.constant 0 : i32
        %parallel_loop3A_261 = arith.index_cast %parallel_loop3A_260 : i32 to index
        %parallel_loop3A_262 = arith.index_cast %parallel_loop3A_197 : i32 to index
        %parallel_loop3A_263 = arith.constant 48 : index
        %parallel_loop3A_264 = tpu.vector_load %arg8[%parallel_loop3A_261, %parallel_loop3A_262, %parallel_loop3A_263] {strides = array<i32>} : memref<1x64x128xf32, #tpu.memory_space<vmem>>, vector<16xf32>,
        tpu.vector_store %arg8[%parallel_loop3A_261, %parallel_loop3A_262, %parallel_loop3A_263], %parallel_loop3A_259 {strides = array<i32>} : memref<1x64x128xf32, #tpu.memory_space<vmem>>, vector<16xf32>,
        %parallel_loop3A_265 = arith.constant 0 : i32
        %parallel_loop3A_266 = arith.index_cast %parallel_loop3A_265 : i32 to index
        %parallel_loop3A_267 = arith.index_cast %parallel_loop3A_204 : i32 to index
        %parallel_loop3A_268 = arith.constant 48 : index
        %parallel_loop3A_269 = tpu.vector_load %arg4[%parallel_loop3A_266, %parallel_loop3A_267, %parallel_loop3A_268] {strides = array<i32>} : memref<1x64x128xf32, #tpu.memory_space<vmem>>, vector<16xf32>,
        %parallel_loop3A_270 = arith.constant 15 : i32
        %parallel_loop3A_271 = vector.broadcast %parallel_loop3A_270 : i32 to vector<16xi32>
        %parallel_loop3A_272 = tpu.iota {dimensions = array<i32: 0>} : vector<16xi32>
        %parallel_loop3A_273 = arith.subi %parallel_loop3A_271, %parallel_loop3A_272 : vector<16xi32>
        %parallel_loop3A_274 = tpu.dynamic_gather %parallel_loop3A_269[%parallel_loop3A_273] in [0] : vector<16xf32>, vector<16xi32> -> vector<16xf32>
        %parallel_loop3A_275 = arith.constant 0 : i32
        %parallel_loop3A_276 = arith.index_cast %parallel_loop3A_275 : i32 to index
        %parallel_loop3A_277 = arith.index_cast %parallel_loop3A_197 : i32 to index
        %parallel_loop3A_278 = arith.constant 64 : index
        %parallel_loop3A_279 = tpu.vector_load %arg8[%parallel_loop3A_276, %parallel_loop3A_277, %parallel_loop3A_278] {strides = array<i32>} : memref<1x64x128xf32, #tpu.memory_space<vmem>>, vector<16xf32>,
        tpu.vector_store %arg8[%parallel_loop3A_276, %parallel_loop3A_277, %parallel_loop3A_278], %parallel_loop3A_274 {strides = array<i32>} : memref<1x64x128xf32, #tpu.memory_space<vmem>>, vector<16xf32>,
        %parallel_loop3A_280 = arith.constant 0 : i32
        %parallel_loop3A_281 = arith.index_cast %parallel_loop3A_280 : i32 to index
        %parallel_loop3A_282 = arith.index_cast %parallel_loop3A_204 : i32 to index
        %parallel_loop3A_283 = arith.constant 32 : index
        %parallel_loop3A_284 = tpu.vector_load %arg4[%parallel_loop3A_281, %parallel_loop3A_282, %parallel_loop3A_283] {strides = array<i32>} : memref<1x64x128xf32, #tpu.memory_space<vmem>>, vector<16xf32>,
        %parallel_loop3A_285 = arith.constant 15 : i32
        %parallel_loop3A_286 = vector.broadcast %parallel_loop3A_285 : i32 to vector<16xi32>
        %parallel_loop3A_287 = tpu.iota {dimensions = array<i32: 0>} : vector<16xi32>
        %parallel_loop3A_288 = arith.subi %parallel_loop3A_286, %parallel_loop3A_287 : vector<16xi32>
        %parallel_loop3A_289 = tpu.dynamic_gather %parallel_loop3A_284[%parallel_loop3A_288] in [0] : vector<16xf32>, vector<16xi32> -> vector<16xf32>
        %parallel_loop3A_290 = arith.constant 0 : i32
        %parallel_loop3A_291 = arith.index_cast %parallel_loop3A_290 : i32 to index
        %parallel_loop3A_292 = arith.index_cast %parallel_loop3A_197 : i32 to index
        %parallel_loop3A_293 = arith.constant 80 : index
        %parallel_loop3A_294 = tpu.vector_load %arg8[%parallel_loop3A_291, %parallel_loop3A_292, %parallel_loop3A_293] {strides = array<i32>} : memref<1x64x128xf32, #tpu.memory_space<vmem>>, vector<16xf32>,
        tpu.vector_store %arg8[%parallel_loop3A_291, %parallel_loop3A_292, %parallel_loop3A_293], %parallel_loop3A_289 {strides = array<i32>} : memref<1x64x128xf32, #tpu.memory_space<vmem>>, vector<16xf32>,
        %parallel_loop3A_295 = arith.constant 0 : i32
        %parallel_loop3A_296 = arith.index_cast %parallel_loop3A_295 : i32 to index
        %parallel_loop3A_297 = arith.index_cast %parallel_loop3A_204 : i32 to index
        %parallel_loop3A_298 = arith.constant 16 : index
        %parallel_loop3A_299 = tpu.vector_load %arg4[%parallel_loop3A_296, %parallel_loop3A_297, %parallel_loop3A_298] {strides = array<i32>} : memref<1x64x128xf32, #tpu.memory_space<vmem>>, vector<16xf32>,
        %parallel_loop3A_300 = arith.constant 15 : i32
        %parallel_loop3A_301 = vector.broadcast %parallel_loop3A_300 : i32 to vector<16xi32>
        %parallel_loop3A_302 = tpu.iota {dimensions = array<i32: 0>} : vector<16xi32>
        %parallel_loop3A_303 = arith.subi %parallel_loop3A_301, %parallel_loop3A_302 : vector<16xi32>
        %parallel_loop3A_304 = tpu.dynamic_gather %parallel_loop3A_299[%parallel_loop3A_303] in [0] : vector<16xf32>, vector<16xi32> -> vector<16xf32>
        %parallel_loop3A_305 = arith.constant 0 : i32
        %parallel_loop3A_306 = arith.index_cast %parallel_loop3A_305 : i32 to index
        %parallel_loop3A_307 = arith.index_cast %parallel_loop3A_197 : i32 to index
        %parallel_loop3A_308 = arith.constant 96 : index
        %parallel_loop3A_309 = tpu.vector_load %arg8[%parallel_loop3A_306, %parallel_loop3A_307, %parallel_loop3A_308] {strides = array<i32>} : memref<1x64x128xf32, #tpu.memory_space<vmem>>, vector<16xf32>,
        tpu.vector_store %arg8[%parallel_loop3A_306, %parallel_loop3A_307, %parallel_loop3A_308], %parallel_loop3A_304 {strides = array<i32>} : memref<1x64x128xf32, #tpu.memory_space<vmem>>, vector<16xf32>,
        %parallel_loop3A_310 = arith.constant 0 : i32
        %parallel_loop3A_311 = arith.index_cast %parallel_loop3A_310 : i32 to index
        %parallel_loop3A_312 = arith.index_cast %parallel_loop3A_204 : i32 to index
        %parallel_loop3A_313 = arith.constant 0 : index
        %parallel_loop3A_314 = tpu.vector_load %arg4[%parallel_loop3A_311, %parallel_loop3A_312, %parallel_loop3A_313] {strides = array<i32>} : memref<1x64x128xf32, #tpu.memory_space<vmem>>, vector<16xf32>,
        %parallel_loop3A_315 = arith.constant 15 : i32
        %parallel_loop3A_316 = vector.broadcast %parallel_loop3A_315 : i32 to vector<16xi32>
        %parallel_loop3A_317 = tpu.iota {dimensions = array<i32: 0>} : vector<16xi32>
        %parallel_loop3A_318 = arith.subi %parallel_loop3A_316, %parallel_loop3A_317 : vector<16xi32>
        %parallel_loop3A_319 = tpu.dynamic_gather %parallel_loop3A_314[%parallel_loop3A_318] in [0] : vector<16xf32>, vector<16xi32> -> vector<16xf32>
        %parallel_loop3A_320 = arith.constant 0 : i32
        %parallel_loop3A_321 = arith.index_cast %parallel_loop3A_320 : i32 to index
        %parallel_loop3A_322 = arith.index_cast %parallel_loop3A_197 : i32 to index
        %parallel_loop3A_323 = arith.constant 112 : index
        %parallel_loop3A_324 = tpu.vector_load %arg8[%parallel_loop3A_321, %parallel_loop3A_322, %parallel_loop3A_323] {strides = array<i32>} : memref<1x64x128xf32, #tpu.memory_space<vmem>>, vector<16xf32>,
        tpu.vector_store %arg8[%parallel_loop3A_321, %parallel_loop3A_322, %parallel_loop3A_323], %parallel_loop3A_319 {strides = array<i32>} : memref<1x64x128xf32, #tpu.memory_space<vmem>>, vector<16xf32>,
      } {sc.loop_unroll_factor = 4 : i64, sc.parallel_access}
      %add3A_89 = arith.addi %mul3A_2, %add3A_76 : i32
      %dma_start3A_90 = arith.constant 0 : i32
      %dma_start3A_91 = arith.constant 0 : i32
      %dma_start3A_92 = tpu.memref_slice %arg3[%add3A_89, %dma_start3A_90, %dma_start3A_91] : memref<4096x64x128xf32, #tpu.memory_space<hbm>> -> memref<1x64x128xf32, #tpu.memory_space<hbm>>
      %dma_start3A_93 = arith.constant 0 : i32
      %dma_start3A_94 = arith.constant 0 : i32
      %dma_start3A_95 = tpu.memref_slice %arg3[%add3A_89, %dma_start3A_93, %dma_start3A_94] : memref<4096x64x128xf32, #tpu.memory_space<hbm>> -> memref<1x64x128xf32, #tpu.memory_space<hbm>>
      tpu.enqueue_dma source(%arg8 : memref<1x64x128xf32, #tpu.memory_space<vmem>>) target(%dma_start3A_95 : memref<1x64x128xf32, #tpu.memory_space<hbm>>) target_semaphore(%arg16 : memref<!tpu.dma_semaphore, #tpu.memory_space<semaphore_mem>>)
      %lt3A = arith.constant 31 : i32
      %lt3A_96 = arith.cmpi slt, %scan3A_71, %lt3A : i32
      %convert_element_type3A_97 = arith.extui %lt3A_96 : i1 to i32
      %cond3A_98 = arith.constant 0 : i32
      %cond3A_99 = arith.cmpi ne, %convert_element_type3A_97, %cond3A_98 : i32
      scf.if %cond3A_99 {
        %add3A_197 = arith.constant 4 : i32
        %add3A_198 = arith.addi %add3A_76, %add3A_197 : i32
        %add3A_199 = arith.addi %mul3A_2, %add3A_198 : i32
        %dma_start3A_200 = arith.constant 0 : i32
        %dma_start3A_201 = arith.constant 0 : i32
        %dma_start3A_202 = tpu.memref_slice %arg2[%add3A_199, %dma_start3A_200, %dma_start3A_201] : memref<4096x64x128xf32, #tpu.memory_space<hbm>> -> memref<1x64x128xf32, #tpu.memory_space<hbm>>
        %dma_start3A_203 = arith.constant 0 : i32
        %dma_start3A_204 = arith.constant 0 : i32
        %dma_start3A_205 = tpu.memref_slice %arg2[%add3A_199, %dma_start3A_203, %dma_start3A_204] : memref<4096x64x128xf32, #tpu.memory_space<hbm>> -> memref<1x64x128xf32, #tpu.memory_space<hbm>>
        tpu.enqueue_dma source(%dma_start3A_205 : memref<1x64x128xf32, #tpu.memory_space<hbm>>) target(%arg4 : memref<1x64x128xf32, #tpu.memory_space<vmem>>) target_semaphore(%arg12 : memref<!tpu.dma_semaphore, #tpu.memory_space<semaphore_mem>>)
      } else {
      }
      %mul3A_100 = arith.constant 4 : i32
      %mul3A_101 = arith.muli %mul3A_100, %scan3A_71 : i32
      %add3A_102 = arith.constant 1 : i32
      %add3A_103 = arith.addi %mul3A_101, %add3A_102 : i32
      %dma_wait3A_104 = arith.constant 0 : i32
      %dma_wait3A_105 = arith.constant 0 : i32
      %dma_wait3A_106 = arith.constant 0 : i32
      %dma_wait3A_107 = tpu.memref_slice %arg2[%dma_wait3A_104, %dma_wait3A_105, %dma_wait3A_106] : memref<4096x64x128xf32, #tpu.memory_space<hbm>> -> memref<1x64x128xf32, #tpu.memory_space<hbm>>
      %dma_wait3A_108 = arith.constant 0 : i32
      %dma_wait3A_109 = arith.constant 0 : i32
      %dma_wait3A_110 = arith.constant 0 : i32
      %dma_wait3A_111 = tpu.memref_slice %arg2[%dma_wait3A_108, %dma_wait3A_109, %dma_wait3A_110] : memref<4096x64x128xf32, #tpu.memory_space<hbm>> -> memref<1x64x128xf32, #tpu.memory_space<hbm>>
      tpu.wait_dma2 semaphore(%arg13 : memref<!tpu.dma_semaphore, #tpu.memory_space<semaphore_mem>>) src(%dma_wait3A_111 : memref<1x64x128xf32, #tpu.memory_space<hbm>>) dst(%arg5 : memref<1x64x128xf32, #tpu.memory_space<vmem>>)
      %gt3A_112 = arith.constant 0 : i32
      %gt3A_113 = arith.cmpi sgt, %scan3A_71, %gt3A_112 : i32
      %convert_element_type3A_114 = arith.extui %gt3A_113 : i1 to i32
      %cond3A_115 = arith.constant 0 : i32
      %cond3A_116 = arith.cmpi ne, %convert_element_type3A_114, %cond3A_115 : i32
      scf.if %cond3A_116 {
        %dma_wait3A_197 = arith.constant 0 : i32
        %dma_wait3A_198 = arith.constant 0 : i32
        %dma_wait3A_199 = arith.constant 0 : i32
        %dma_wait3A_200 = tpu.memref_slice %arg3[%dma_wait3A_197, %dma_wait3A_198, %dma_wait3A_199] : memref<4096x64x128xf32, #tpu.memory_space<hbm>> -> memref<1x64x128xf32, #tpu.memory_space<hbm>>
        %dma_wait3A_201 = arith.constant 0 : i32
        %dma_wait3A_202 = arith.constant 0 : i32
        %dma_wait3A_203 = arith.constant 0 : i32
        %dma_wait3A_204 = tpu.memref_slice %arg3[%dma_wait3A_201, %dma_wait3A_202, %dma_wait3A_203] : memref<4096x64x128xf32, #tpu.memory_space<hbm>> -> memref<1x64x128xf32, #tpu.memory_space<hbm>>
        tpu.wait_dma2 semaphore(%arg17 : memref<!tpu.dma_semaphore, #tpu.memory_space<semaphore_mem>>) src(%arg9 : memref<1x64x128xf32, #tpu.memory_space<vmem>>) dst(%dma_wait3A_204 : memref<1x64x128xf32, #tpu.memory_space<hbm>>)
      } else {
      }
      %parallel_loop3A_117 = arith.constant 0 : i32
      %parallel_loop3A_118 = arith.constant 64 : i32
      %parallel_loop3A_119 = arith.constant 1 : i32
      scf.for %parallel_loop3A_197 = %parallel_loop3A_117 to %parallel_loop3A_118 step %parallel_loop3A_119  : i32 {
        %parallel_loop3A_198 = arith.constant 62 : i32
        %parallel_loop3A_199 = arith.subi %parallel_loop3A_198, %parallel_loop3A_197 : i32
        %parallel_loop3A_200 = arith.constant 1 : i32
        %parallel_loop3A_201 = arith.andi %parallel_loop3A_197, %parallel_loop3A_200 : i32
        %parallel_loop3A_202 = arith.constant 2 : i32
        %parallel_loop3A_203 = arith.muli %parallel_loop3A_202, %parallel_loop3A_201 : i32
        %parallel_loop3A_204 = arith.addi %parallel_loop3A_199, %parallel_loop3A_203 : i32
        %parallel_loop3A_205 = arith.constant 0 : i32
        %parallel_loop3A_206 = arith.index_cast %parallel_loop3A_205 : i32 to index
        %parallel_loop3A_207 = arith.index_cast %parallel_loop3A_204 : i32 to index
        %parallel_loop3A_208 = arith.constant 112 : index
        %parallel_loop3A_209 = tpu.vector_load %arg5[%parallel_loop3A_206, %parallel_loop3A_207, %parallel_loop3A_208] {strides = array<i32>} : memref<1x64x128xf32, #tpu.memory_space<vmem>>, vector<16xf32>,
        %parallel_loop3A_210 = arith.constant 15 : i32
        %parallel_loop3A_211 = vector.broadcast %parallel_loop3A_210 : i32 to vector<16xi32>
        %parallel_loop3A_212 = tpu.iota {dimensions = array<i32: 0>} : vector<16xi32>
        %parallel_loop3A_213 = arith.subi %parallel_loop3A_211, %parallel_loop3A_212 : vector<16xi32>
        %parallel_loop3A_214 = tpu.dynamic_gather %parallel_loop3A_209[%parallel_loop3A_213] in [0] : vector<16xf32>, vector<16xi32> -> vector<16xf32>
        %parallel_loop3A_215 = arith.constant 0 : i32
        %parallel_loop3A_216 = arith.index_cast %parallel_loop3A_215 : i32 to index
        %parallel_loop3A_217 = arith.index_cast %parallel_loop3A_197 : i32 to index
        %parallel_loop3A_218 = arith.constant 0 : index
        %parallel_loop3A_219 = tpu.vector_load %arg9[%parallel_loop3A_216, %parallel_loop3A_217, %parallel_loop3A_218] {strides = array<i32>} : memref<1x64x128xf32, #tpu.memory_space<vmem>>, vector<16xf32>,
        tpu.vector_store %arg9[%parallel_loop3A_216, %parallel_loop3A_217, %parallel_loop3A_218], %parallel_loop3A_214 {strides = array<i32>} : memref<1x64x128xf32, #tpu.memory_space<vmem>>, vector<16xf32>,
        %parallel_loop3A_220 = arith.constant 0 : i32
        %parallel_loop3A_221 = arith.index_cast %parallel_loop3A_220 : i32 to index
        %parallel_loop3A_222 = arith.index_cast %parallel_loop3A_204 : i32 to index
        %parallel_loop3A_223 = arith.constant 96 : index
        %parallel_loop3A_224 = tpu.vector_load %arg5[%parallel_loop3A_221, %parallel_loop3A_222, %parallel_loop3A_223] {strides = array<i32>} : memref<1x64x128xf32, #tpu.memory_space<vmem>>, vector<16xf32>,
        %parallel_loop3A_225 = arith.constant 15 : i32
        %parallel_loop3A_226 = vector.broadcast %parallel_loop3A_225 : i32 to vector<16xi32>
        %parallel_loop3A_227 = tpu.iota {dimensions = array<i32: 0>} : vector<16xi32>
        %parallel_loop3A_228 = arith.subi %parallel_loop3A_226, %parallel_loop3A_227 : vector<16xi32>
        %parallel_loop3A_229 = tpu.dynamic_gather %parallel_loop3A_224[%parallel_loop3A_228] in [0] : vector<16xf32>, vector<16xi32> -> vector<16xf32>
        %parallel_loop3A_230 = arith.constant 0 : i32
        %parallel_loop3A_231 = arith.index_cast %parallel_loop3A_230 : i32 to index
        %parallel_loop3A_232 = arith.index_cast %parallel_loop3A_197 : i32 to index
        %parallel_loop3A_233 = arith.constant 16 : index
        %parallel_loop3A_234 = tpu.vector_load %arg9[%parallel_loop3A_231, %parallel_loop3A_232, %parallel_loop3A_233] {strides = array<i32>} : memref<1x64x128xf32, #tpu.memory_space<vmem>>, vector<16xf32>,
        tpu.vector_store %arg9[%parallel_loop3A_231, %parallel_loop3A_232, %parallel_loop3A_233], %parallel_loop3A_229 {strides = array<i32>} : memref<1x64x128xf32, #tpu.memory_space<vmem>>, vector<16xf32>,
        %parallel_loop3A_235 = arith.constant 0 : i32
        %parallel_loop3A_236 = arith.index_cast %parallel_loop3A_235 : i32 to index
        %parallel_loop3A_237 = arith.index_cast %parallel_loop3A_204 : i32 to index
        %parallel_loop3A_238 = arith.constant 80 : index
        %parallel_loop3A_239 = tpu.vector_load %arg5[%parallel_loop3A_236, %parallel_loop3A_237, %parallel_loop3A_238] {strides = array<i32>} : memref<1x64x128xf32, #tpu.memory_space<vmem>>, vector<16xf32>,
        %parallel_loop3A_240 = arith.constant 15 : i32
        %parallel_loop3A_241 = vector.broadcast %parallel_loop3A_240 : i32 to vector<16xi32>
        %parallel_loop3A_242 = tpu.iota {dimensions = array<i32: 0>} : vector<16xi32>
        %parallel_loop3A_243 = arith.subi %parallel_loop3A_241, %parallel_loop3A_242 : vector<16xi32>
        %parallel_loop3A_244 = tpu.dynamic_gather %parallel_loop3A_239[%parallel_loop3A_243] in [0] : vector<16xf32>, vector<16xi32> -> vector<16xf32>
        %parallel_loop3A_245 = arith.constant 0 : i32
        %parallel_loop3A_246 = arith.index_cast %parallel_loop3A_245 : i32 to index
        %parallel_loop3A_247 = arith.index_cast %parallel_loop3A_197 : i32 to index
        %parallel_loop3A_248 = arith.constant 32 : index
        %parallel_loop3A_249 = tpu.vector_load %arg9[%parallel_loop3A_246, %parallel_loop3A_247, %parallel_loop3A_248] {strides = array<i32>} : memref<1x64x128xf32, #tpu.memory_space<vmem>>, vector<16xf32>,
        tpu.vector_store %arg9[%parallel_loop3A_246, %parallel_loop3A_247, %parallel_loop3A_248], %parallel_loop3A_244 {strides = array<i32>} : memref<1x64x128xf32, #tpu.memory_space<vmem>>, vector<16xf32>,
        %parallel_loop3A_250 = arith.constant 0 : i32
        %parallel_loop3A_251 = arith.index_cast %parallel_loop3A_250 : i32 to index
        %parallel_loop3A_252 = arith.index_cast %parallel_loop3A_204 : i32 to index
        %parallel_loop3A_253 = arith.constant 64 : index
        %parallel_loop3A_254 = tpu.vector_load %arg5[%parallel_loop3A_251, %parallel_loop3A_252, %parallel_loop3A_253] {strides = array<i32>} : memref<1x64x128xf32, #tpu.memory_space<vmem>>, vector<16xf32>,
        %parallel_loop3A_255 = arith.constant 15 : i32
        %parallel_loop3A_256 = vector.broadcast %parallel_loop3A_255 : i32 to vector<16xi32>
        %parallel_loop3A_257 = tpu.iota {dimensions = array<i32: 0>} : vector<16xi32>
        %parallel_loop3A_258 = arith.subi %parallel_loop3A_256, %parallel_loop3A_257 : vector<16xi32>
        %parallel_loop3A_259 = tpu.dynamic_gather %parallel_loop3A_254[%parallel_loop3A_258] in [0] : vector<16xf32>, vector<16xi32> -> vector<16xf32>
        %parallel_loop3A_260 = arith.constant 0 : i32
        %parallel_loop3A_261 = arith.index_cast %parallel_loop3A_260 : i32 to index
        %parallel_loop3A_262 = arith.index_cast %parallel_loop3A_197 : i32 to index
        %parallel_loop3A_263 = arith.constant 48 : index
        %parallel_loop3A_264 = tpu.vector_load %arg9[%parallel_loop3A_261, %parallel_loop3A_262, %parallel_loop3A_263] {strides = array<i32>} : memref<1x64x128xf32, #tpu.memory_space<vmem>>, vector<16xf32>,
        tpu.vector_store %arg9[%parallel_loop3A_261, %parallel_loop3A_262, %parallel_loop3A_263], %parallel_loop3A_259 {strides = array<i32>} : memref<1x64x128xf32, #tpu.memory_space<vmem>>, vector<16xf32>,
        %parallel_loop3A_265 = arith.constant 0 : i32
        %parallel_loop3A_266 = arith.index_cast %parallel_loop3A_265 : i32 to index
        %parallel_loop3A_267 = arith.index_cast %parallel_loop3A_204 : i32 to index
        %parallel_loop3A_268 = arith.constant 48 : index
        %parallel_loop3A_269 = tpu.vector_load %arg5[%parallel_loop3A_266, %parallel_loop3A_267, %parallel_loop3A_268] {strides = array<i32>} : memref<1x64x128xf32, #tpu.memory_space<vmem>>, vector<16xf32>,
        %parallel_loop3A_270 = arith.constant 15 : i32
        %parallel_loop3A_271 = vector.broadcast %parallel_loop3A_270 : i32 to vector<16xi32>
        %parallel_loop3A_272 = tpu.iota {dimensions = array<i32: 0>} : vector<16xi32>
        %parallel_loop3A_273 = arith.subi %parallel_loop3A_271, %parallel_loop3A_272 : vector<16xi32>
        %parallel_loop3A_274 = tpu.dynamic_gather %parallel_loop3A_269[%parallel_loop3A_273] in [0] : vector<16xf32>, vector<16xi32> -> vector<16xf32>
        %parallel_loop3A_275 = arith.constant 0 : i32
        %parallel_loop3A_276 = arith.index_cast %parallel_loop3A_275 : i32 to index
        %parallel_loop3A_277 = arith.index_cast %parallel_loop3A_197 : i32 to index
        %parallel_loop3A_278 = arith.constant 64 : index
        %parallel_loop3A_279 = tpu.vector_load %arg9[%parallel_loop3A_276, %parallel_loop3A_277, %parallel_loop3A_278] {strides = array<i32>} : memref<1x64x128xf32, #tpu.memory_space<vmem>>, vector<16xf32>,
        tpu.vector_store %arg9[%parallel_loop3A_276, %parallel_loop3A_277, %parallel_loop3A_278], %parallel_loop3A_274 {strides = array<i32>} : memref<1x64x128xf32, #tpu.memory_space<vmem>>, vector<16xf32>,
        %parallel_loop3A_280 = arith.constant 0 : i32
        %parallel_loop3A_281 = arith.index_cast %parallel_loop3A_280 : i32 to index
        %parallel_loop3A_282 = arith.index_cast %parallel_loop3A_204 : i32 to index
        %parallel_loop3A_283 = arith.constant 32 : index
        %parallel_loop3A_284 = tpu.vector_load %arg5[%parallel_loop3A_281, %parallel_loop3A_282, %parallel_loop3A_283] {strides = array<i32>} : memref<1x64x128xf32, #tpu.memory_space<vmem>>, vector<16xf32>,
        %parallel_loop3A_285 = arith.constant 15 : i32
        %parallel_loop3A_286 = vector.broadcast %parallel_loop3A_285 : i32 to vector<16xi32>
        %parallel_loop3A_287 = tpu.iota {dimensions = array<i32: 0>} : vector<16xi32>
        %parallel_loop3A_288 = arith.subi %parallel_loop3A_286, %parallel_loop3A_287 : vector<16xi32>
        %parallel_loop3A_289 = tpu.dynamic_gather %parallel_loop3A_284[%parallel_loop3A_288] in [0] : vector<16xf32>, vector<16xi32> -> vector<16xf32>
        %parallel_loop3A_290 = arith.constant 0 : i32
        %parallel_loop3A_291 = arith.index_cast %parallel_loop3A_290 : i32 to index
        %parallel_loop3A_292 = arith.index_cast %parallel_loop3A_197 : i32 to index
        %parallel_loop3A_293 = arith.constant 80 : index
        %parallel_loop3A_294 = tpu.vector_load %arg9[%parallel_loop3A_291, %parallel_loop3A_292, %parallel_loop3A_293] {strides = array<i32>} : memref<1x64x128xf32, #tpu.memory_space<vmem>>, vector<16xf32>,
        tpu.vector_store %arg9[%parallel_loop3A_291, %parallel_loop3A_292, %parallel_loop3A_293], %parallel_loop3A_289 {strides = array<i32>} : memref<1x64x128xf32, #tpu.memory_space<vmem>>, vector<16xf32>,
        %parallel_loop3A_295 = arith.constant 0 : i32
        %parallel_loop3A_296 = arith.index_cast %parallel_loop3A_295 : i32 to index
        %parallel_loop3A_297 = arith.index_cast %parallel_loop3A_204 : i32 to index
        %parallel_loop3A_298 = arith.constant 16 : index
        %parallel_loop3A_299 = tpu.vector_load %arg5[%parallel_loop3A_296, %parallel_loop3A_297, %parallel_loop3A_298] {strides = array<i32>} : memref<1x64x128xf32, #tpu.memory_space<vmem>>, vector<16xf32>,
        %parallel_loop3A_300 = arith.constant 15 : i32
        %parallel_loop3A_301 = vector.broadcast %parallel_loop3A_300 : i32 to vector<16xi32>
        %parallel_loop3A_302 = tpu.iota {dimensions = array<i32: 0>} : vector<16xi32>
        %parallel_loop3A_303 = arith.subi %parallel_loop3A_301, %parallel_loop3A_302 : vector<16xi32>
        %parallel_loop3A_304 = tpu.dynamic_gather %parallel_loop3A_299[%parallel_loop3A_303] in [0] : vector<16xf32>, vector<16xi32> -> vector<16xf32>
        %parallel_loop3A_305 = arith.constant 0 : i32
        %parallel_loop3A_306 = arith.index_cast %parallel_loop3A_305 : i32 to index
        %parallel_loop3A_307 = arith.index_cast %parallel_loop3A_197 : i32 to index
        %parallel_loop3A_308 = arith.constant 96 : index
        %parallel_loop3A_309 = tpu.vector_load %arg9[%parallel_loop3A_306, %parallel_loop3A_307, %parallel_loop3A_308] {strides = array<i32>} : memref<1x64x128xf32, #tpu.memory_space<vmem>>, vector<16xf32>,
        tpu.vector_store %arg9[%parallel_loop3A_306, %parallel_loop3A_307, %parallel_loop3A_308], %parallel_loop3A_304 {strides = array<i32>} : memref<1x64x128xf32, #tpu.memory_space<vmem>>, vector<16xf32>,
        %parallel_loop3A_310 = arith.constant 0 : i32
        %parallel_loop3A_311 = arith.index_cast %parallel_loop3A_310 : i32 to index
        %parallel_loop3A_312 = arith.index_cast %parallel_loop3A_204 : i32 to index
        %parallel_loop3A_313 = arith.constant 0 : index
        %parallel_loop3A_314 = tpu.vector_load %arg5[%parallel_loop3A_311, %parallel_loop3A_312, %parallel_loop3A_313] {strides = array<i32>} : memref<1x64x128xf32, #tpu.memory_space<vmem>>, vector<16xf32>,
        %parallel_loop3A_315 = arith.constant 15 : i32
        %parallel_loop3A_316 = vector.broadcast %parallel_loop3A_315 : i32 to vector<16xi32>
        %parallel_loop3A_317 = tpu.iota {dimensions = array<i32: 0>} : vector<16xi32>
        %parallel_loop3A_318 = arith.subi %parallel_loop3A_316, %parallel_loop3A_317 : vector<16xi32>
        %parallel_loop3A_319 = tpu.dynamic_gather %parallel_loop3A_314[%parallel_loop3A_318] in [0] : vector<16xf32>, vector<16xi32> -> vector<16xf32>
        %parallel_loop3A_320 = arith.constant 0 : i32
        %parallel_loop3A_321 = arith.index_cast %parallel_loop3A_320 : i32 to index
        %parallel_loop3A_322 = arith.index_cast %parallel_loop3A_197 : i32 to index
        %parallel_loop3A_323 = arith.constant 112 : index
        %parallel_loop3A_324 = tpu.vector_load %arg9[%parallel_loop3A_321, %parallel_loop3A_322, %parallel_loop3A_323] {strides = array<i32>} : memref<1x64x128xf32, #tpu.memory_space<vmem>>, vector<16xf32>,
        tpu.vector_store %arg9[%parallel_loop3A_321, %parallel_loop3A_322, %parallel_loop3A_323], %parallel_loop3A_319 {strides = array<i32>} : memref<1x64x128xf32, #tpu.memory_space<vmem>>, vector<16xf32>,
      } {sc.loop_unroll_factor = 4 : i64, sc.parallel_access}
      %add3A_120 = arith.addi %mul3A_2, %add3A_103 : i32
      %dma_start3A_121 = arith.constant 0 : i32
      %dma_start3A_122 = arith.constant 0 : i32
      %dma_start3A_123 = tpu.memref_slice %arg3[%add3A_120, %dma_start3A_121, %dma_start3A_122] : memref<4096x64x128xf32, #tpu.memory_space<hbm>> -> memref<1x64x128xf32, #tpu.memory_space<hbm>>
      %dma_start3A_124 = arith.constant 0 : i32
      %dma_start3A_125 = arith.constant 0 : i32
      %dma_start3A_126 = tpu.memref_slice %arg3[%add3A_120, %dma_start3A_124, %dma_start3A_125] : memref<4096x64x128xf32, #tpu.memory_space<hbm>> -> memref<1x64x128xf32, #tpu.memory_space<hbm>>
      tpu.enqueue_dma source(%arg9 : memref<1x64x128xf32, #tpu.memory_space<vmem>>) target(%dma_start3A_126 : memref<1x64x128xf32, #tpu.memory_space<hbm>>) target_semaphore(%arg17 : memref<!tpu.dma_semaphore, #tpu.memory_space<semaphore_mem>>)
      %lt3A_127 = arith.constant 31 : i32
      %lt3A_128 = arith.cmpi slt, %scan3A_71, %lt3A_127 : i32
      %convert_element_type3A_129 = arith.extui %lt3A_128 : i1 to i32
      %cond3A_130 = arith.constant 0 : i32
      %cond3A_131 = arith.cmpi ne, %convert_element_type3A_129, %cond3A_130 : i32
      scf.if %cond3A_131 {
        %add3A_197 = arith.constant 4 : i32
        %add3A_198 = arith.addi %add3A_103, %add3A_197 : i32
        %add3A_199 = arith.addi %mul3A_2, %add3A_198 : i32
        %dma_start3A_200 = arith.constant 0 : i32
        %dma_start3A_201 = arith.constant 0 : i32
        %dma_start3A_202 = tpu.memref_slice %arg2[%add3A_199, %dma_start3A_200, %dma_start3A_201] : memref<4096x64x128xf32, #tpu.memory_space<hbm>> -> memref<1x64x128xf32, #tpu.memory_space<hbm>>
        %dma_start3A_203 = arith.constant 0 : i32
        %dma_start3A_204 = arith.constant 0 : i32
        %dma_start3A_205 = tpu.memref_slice %arg2[%add3A_199, %dma_start3A_203, %dma_start3A_204] : memref<4096x64x128xf32, #tpu.memory_space<hbm>> -> memref<1x64x128xf32, #tpu.memory_space<hbm>>
        tpu.enqueue_dma source(%dma_start3A_205 : memref<1x64x128xf32, #tpu.memory_space<hbm>>) target(%arg5 : memref<1x64x128xf32, #tpu.memory_space<vmem>>) target_semaphore(%arg13 : memref<!tpu.dma_semaphore, #tpu.memory_space<semaphore_mem>>)
      } else {
      }
      %mul3A_132 = arith.constant 4 : i32
      %mul3A_133 = arith.muli %mul3A_132, %scan3A_71 : i32
      %add3A_134 = arith.constant 2 : i32
      %add3A_135 = arith.addi %mul3A_133, %add3A_134 : i32
      %dma_wait3A_136 = arith.constant 0 : i32
      %dma_wait3A_137 = arith.constant 0 : i32
      %dma_wait3A_138 = arith.constant 0 : i32
      %dma_wait3A_139 = tpu.memref_slice %arg2[%dma_wait3A_136, %dma_wait3A_137, %dma_wait3A_138] : memref<4096x64x128xf32, #tpu.memory_space<hbm>> -> memref<1x64x128xf32, #tpu.memory_space<hbm>>
      %dma_wait3A_140 = arith.constant 0 : i32
      %dma_wait3A_141 = arith.constant 0 : i32
      %dma_wait3A_142 = arith.constant 0 : i32
      %dma_wait3A_143 = tpu.memref_slice %arg2[%dma_wait3A_140, %dma_wait3A_141, %dma_wait3A_142] : memref<4096x64x128xf32, #tpu.memory_space<hbm>> -> memref<1x64x128xf32, #tpu.memory_space<hbm>>
      tpu.wait_dma2 semaphore(%arg14 : memref<!tpu.dma_semaphore, #tpu.memory_space<semaphore_mem>>) src(%dma_wait3A_143 : memref<1x64x128xf32, #tpu.memory_space<hbm>>) dst(%arg6 : memref<1x64x128xf32, #tpu.memory_space<vmem>>)
      %gt3A_144 = arith.constant 0 : i32
      %gt3A_145 = arith.cmpi sgt, %scan3A_71, %gt3A_144 : i32
      %convert_element_type3A_146 = arith.extui %gt3A_145 : i1 to i32
      %cond3A_147 = arith.constant 0 : i32
      %cond3A_148 = arith.cmpi ne, %convert_element_type3A_146, %cond3A_147 : i32
      scf.if %cond3A_148 {
        %dma_wait3A_197 = arith.constant 0 : i32
        %dma_wait3A_198 = arith.constant 0 : i32
        %dma_wait3A_199 = arith.constant 0 : i32
        %dma_wait3A_200 = tpu.memref_slice %arg3[%dma_wait3A_197, %dma_wait3A_198, %dma_wait3A_199] : memref<4096x64x128xf32, #tpu.memory_space<hbm>> -> memref<1x64x128xf32, #tpu.memory_space<hbm>>
        %dma_wait3A_201 = arith.constant 0 : i32
        %dma_wait3A_202 = arith.constant 0 : i32
        %dma_wait3A_203 = arith.constant 0 : i32
        %dma_wait3A_204 = tpu.memref_slice %arg3[%dma_wait3A_201, %dma_wait3A_202, %dma_wait3A_203] : memref<4096x64x128xf32, #tpu.memory_space<hbm>> -> memref<1x64x128xf32, #tpu.memory_space<hbm>>
        tpu.wait_dma2 semaphore(%arg18 : memref<!tpu.dma_semaphore, #tpu.memory_space<semaphore_mem>>) src(%arg10 : memref<1x64x128xf32, #tpu.memory_space<vmem>>) dst(%dma_wait3A_204 : memref<1x64x128xf32, #tpu.memory_space<hbm>>)
      } else {
      }
      %parallel_loop3A_149 = arith.constant 0 : i32
      %parallel_loop3A_150 = arith.constant 64 : i32
      %parallel_loop3A_151 = arith.constant 1 : i32
      scf.for %parallel_loop3A_197 = %parallel_loop3A_149 to %parallel_loop3A_150 step %parallel_loop3A_151  : i32 {
        %parallel_loop3A_198 = arith.constant 62 : i32
        %parallel_loop3A_199 = arith.subi %parallel_loop3A_198, %parallel_loop3A_197 : i32
        %parallel_loop3A_200 = arith.constant 1 : i32
        %parallel_loop3A_201 = arith.andi %parallel_loop3A_197, %parallel_loop3A_200 : i32
        %parallel_loop3A_202 = arith.constant 2 : i32
        %parallel_loop3A_203 = arith.muli %parallel_loop3A_202, %parallel_loop3A_201 : i32
        %parallel_loop3A_204 = arith.addi %parallel_loop3A_199, %parallel_loop3A_203 : i32
        %parallel_loop3A_205 = arith.constant 0 : i32
        %parallel_loop3A_206 = arith.index_cast %parallel_loop3A_205 : i32 to index
        %parallel_loop3A_207 = arith.index_cast %parallel_loop3A_204 : i32 to index
        %parallel_loop3A_208 = arith.constant 112 : index
        %parallel_loop3A_209 = tpu.vector_load %arg6[%parallel_loop3A_206, %parallel_loop3A_207, %parallel_loop3A_208] {strides = array<i32>} : memref<1x64x128xf32, #tpu.memory_space<vmem>>, vector<16xf32>,
        %parallel_loop3A_210 = arith.constant 15 : i32
        %parallel_loop3A_211 = vector.broadcast %parallel_loop3A_210 : i32 to vector<16xi32>
        %parallel_loop3A_212 = tpu.iota {dimensions = array<i32: 0>} : vector<16xi32>
        %parallel_loop3A_213 = arith.subi %parallel_loop3A_211, %parallel_loop3A_212 : vector<16xi32>
        %parallel_loop3A_214 = tpu.dynamic_gather %parallel_loop3A_209[%parallel_loop3A_213] in [0] : vector<16xf32>, vector<16xi32> -> vector<16xf32>
        %parallel_loop3A_215 = arith.constant 0 : i32
        %parallel_loop3A_216 = arith.index_cast %parallel_loop3A_215 : i32 to index
        %parallel_loop3A_217 = arith.index_cast %parallel_loop3A_197 : i32 to index
        %parallel_loop3A_218 = arith.constant 0 : index
        %parallel_loop3A_219 = tpu.vector_load %arg10[%parallel_loop3A_216, %parallel_loop3A_217, %parallel_loop3A_218] {strides = array<i32>} : memref<1x64x128xf32, #tpu.memory_space<vmem>>, vector<16xf32>,
        tpu.vector_store %arg10[%parallel_loop3A_216, %parallel_loop3A_217, %parallel_loop3A_218], %parallel_loop3A_214 {strides = array<i32>} : memref<1x64x128xf32, #tpu.memory_space<vmem>>, vector<16xf32>,
        %parallel_loop3A_220 = arith.constant 0 : i32
        %parallel_loop3A_221 = arith.index_cast %parallel_loop3A_220 : i32 to index
        %parallel_loop3A_222 = arith.index_cast %parallel_loop3A_204 : i32 to index
        %parallel_loop3A_223 = arith.constant 96 : index
        %parallel_loop3A_224 = tpu.vector_load %arg6[%parallel_loop3A_221, %parallel_loop3A_222, %parallel_loop3A_223] {strides = array<i32>} : memref<1x64x128xf32, #tpu.memory_space<vmem>>, vector<16xf32>,
        %parallel_loop3A_225 = arith.constant 15 : i32
        %parallel_loop3A_226 = vector.broadcast %parallel_loop3A_225 : i32 to vector<16xi32>
        %parallel_loop3A_227 = tpu.iota {dimensions = array<i32: 0>} : vector<16xi32>
        %parallel_loop3A_228 = arith.subi %parallel_loop3A_226, %parallel_loop3A_227 : vector<16xi32>
        %parallel_loop3A_229 = tpu.dynamic_gather %parallel_loop3A_224[%parallel_loop3A_228] in [0] : vector<16xf32>, vector<16xi32> -> vector<16xf32>
        %parallel_loop3A_230 = arith.constant 0 : i32
        %parallel_loop3A_231 = arith.index_cast %parallel_loop3A_230 : i32 to index
        %parallel_loop3A_232 = arith.index_cast %parallel_loop3A_197 : i32 to index
        %parallel_loop3A_233 = arith.constant 16 : index
        %parallel_loop3A_234 = tpu.vector_load %arg10[%parallel_loop3A_231, %parallel_loop3A_232, %parallel_loop3A_233] {strides = array<i32>} : memref<1x64x128xf32, #tpu.memory_space<vmem>>, vector<16xf32>,
        tpu.vector_store %arg10[%parallel_loop3A_231, %parallel_loop3A_232, %parallel_loop3A_233], %parallel_loop3A_229 {strides = array<i32>} : memref<1x64x128xf32, #tpu.memory_space<vmem>>, vector<16xf32>,
        %parallel_loop3A_235 = arith.constant 0 : i32
        %parallel_loop3A_236 = arith.index_cast %parallel_loop3A_235 : i32 to index
        %parallel_loop3A_237 = arith.index_cast %parallel_loop3A_204 : i32 to index
        %parallel_loop3A_238 = arith.constant 80 : index
        %parallel_loop3A_239 = tpu.vector_load %arg6[%parallel_loop3A_236, %parallel_loop3A_237, %parallel_loop3A_238] {strides = array<i32>} : memref<1x64x128xf32, #tpu.memory_space<vmem>>, vector<16xf32>,
        %parallel_loop3A_240 = arith.constant 15 : i32
        %parallel_loop3A_241 = vector.broadcast %parallel_loop3A_240 : i32 to vector<16xi32>
        %parallel_loop3A_242 = tpu.iota {dimensions = array<i32: 0>} : vector<16xi32>
        %parallel_loop3A_243 = arith.subi %parallel_loop3A_241, %parallel_loop3A_242 : vector<16xi32>
        %parallel_loop3A_244 = tpu.dynamic_gather %parallel_loop3A_239[%parallel_loop3A_243] in [0] : vector<16xf32>, vector<16xi32> -> vector<16xf32>
        %parallel_loop3A_245 = arith.constant 0 : i32
        %parallel_loop3A_246 = arith.index_cast %parallel_loop3A_245 : i32 to index
        %parallel_loop3A_247 = arith.index_cast %parallel_loop3A_197 : i32 to index
        %parallel_loop3A_248 = arith.constant 32 : index
        %parallel_loop3A_249 = tpu.vector_load %arg10[%parallel_loop3A_246, %parallel_loop3A_247, %parallel_loop3A_248] {strides = array<i32>} : memref<1x64x128xf32, #tpu.memory_space<vmem>>, vector<16xf32>,
        tpu.vector_store %arg10[%parallel_loop3A_246, %parallel_loop3A_247, %parallel_loop3A_248], %parallel_loop3A_244 {strides = array<i32>} : memref<1x64x128xf32, #tpu.memory_space<vmem>>, vector<16xf32>,
        %parallel_loop3A_250 = arith.constant 0 : i32
        %parallel_loop3A_251 = arith.index_cast %parallel_loop3A_250 : i32 to index
        %parallel_loop3A_252 = arith.index_cast %parallel_loop3A_204 : i32 to index
        %parallel_loop3A_253 = arith.constant 64 : index
        %parallel_loop3A_254 = tpu.vector_load %arg6[%parallel_loop3A_251, %parallel_loop3A_252, %parallel_loop3A_253] {strides = array<i32>} : memref<1x64x128xf32, #tpu.memory_space<vmem>>, vector<16xf32>,
        %parallel_loop3A_255 = arith.constant 15 : i32
        %parallel_loop3A_256 = vector.broadcast %parallel_loop3A_255 : i32 to vector<16xi32>
        %parallel_loop3A_257 = tpu.iota {dimensions = array<i32: 0>} : vector<16xi32>
        %parallel_loop3A_258 = arith.subi %parallel_loop3A_256, %parallel_loop3A_257 : vector<16xi32>
        %parallel_loop3A_259 = tpu.dynamic_gather %parallel_loop3A_254[%parallel_loop3A_258] in [0] : vector<16xf32>, vector<16xi32> -> vector<16xf32>
        %parallel_loop3A_260 = arith.constant 0 : i32
        %parallel_loop3A_261 = arith.index_cast %parallel_loop3A_260 : i32 to index
        %parallel_loop3A_262 = arith.index_cast %parallel_loop3A_197 : i32 to index
        %parallel_loop3A_263 = arith.constant 48 : index
        %parallel_loop3A_264 = tpu.vector_load %arg10[%parallel_loop3A_261, %parallel_loop3A_262, %parallel_loop3A_263] {strides = array<i32>} : memref<1x64x128xf32, #tpu.memory_space<vmem>>, vector<16xf32>,
        tpu.vector_store %arg10[%parallel_loop3A_261, %parallel_loop3A_262, %parallel_loop3A_263], %parallel_loop3A_259 {strides = array<i32>} : memref<1x64x128xf32, #tpu.memory_space<vmem>>, vector<16xf32>,
        %parallel_loop3A_265 = arith.constant 0 : i32
        %parallel_loop3A_266 = arith.index_cast %parallel_loop3A_265 : i32 to index
        %parallel_loop3A_267 = arith.index_cast %parallel_loop3A_204 : i32 to index
        %parallel_loop3A_268 = arith.constant 48 : index
        %parallel_loop3A_269 = tpu.vector_load %arg6[%parallel_loop3A_266, %parallel_loop3A_267, %parallel_loop3A_268] {strides = array<i32>} : memref<1x64x128xf32, #tpu.memory_space<vmem>>, vector<16xf32>,
        %parallel_loop3A_270 = arith.constant 15 : i32
        %parallel_loop3A_271 = vector.broadcast %parallel_loop3A_270 : i32 to vector<16xi32>
        %parallel_loop3A_272 = tpu.iota {dimensions = array<i32: 0>} : vector<16xi32>
        %parallel_loop3A_273 = arith.subi %parallel_loop3A_271, %parallel_loop3A_272 : vector<16xi32>
        %parallel_loop3A_274 = tpu.dynamic_gather %parallel_loop3A_269[%parallel_loop3A_273] in [0] : vector<16xf32>, vector<16xi32> -> vector<16xf32>
        %parallel_loop3A_275 = arith.constant 0 : i32
        %parallel_loop3A_276 = arith.index_cast %parallel_loop3A_275 : i32 to index
        %parallel_loop3A_277 = arith.index_cast %parallel_loop3A_197 : i32 to index
        %parallel_loop3A_278 = arith.constant 64 : index
        %parallel_loop3A_279 = tpu.vector_load %arg10[%parallel_loop3A_276, %parallel_loop3A_277, %parallel_loop3A_278] {strides = array<i32>} : memref<1x64x128xf32, #tpu.memory_space<vmem>>, vector<16xf32>,
        tpu.vector_store %arg10[%parallel_loop3A_276, %parallel_loop3A_277, %parallel_loop3A_278], %parallel_loop3A_274 {strides = array<i32>} : memref<1x64x128xf32, #tpu.memory_space<vmem>>, vector<16xf32>,
        %parallel_loop3A_280 = arith.constant 0 : i32
        %parallel_loop3A_281 = arith.index_cast %parallel_loop3A_280 : i32 to index
        %parallel_loop3A_282 = arith.index_cast %parallel_loop3A_204 : i32 to index
        %parallel_loop3A_283 = arith.constant 32 : index
        %parallel_loop3A_284 = tpu.vector_load %arg6[%parallel_loop3A_281, %parallel_loop3A_282, %parallel_loop3A_283] {strides = array<i32>} : memref<1x64x128xf32, #tpu.memory_space<vmem>>, vector<16xf32>,
        %parallel_loop3A_285 = arith.constant 15 : i32
        %parallel_loop3A_286 = vector.broadcast %parallel_loop3A_285 : i32 to vector<16xi32>
        %parallel_loop3A_287 = tpu.iota {dimensions = array<i32: 0>} : vector<16xi32>
        %parallel_loop3A_288 = arith.subi %parallel_loop3A_286, %parallel_loop3A_287 : vector<16xi32>
        %parallel_loop3A_289 = tpu.dynamic_gather %parallel_loop3A_284[%parallel_loop3A_288] in [0] : vector<16xf32>, vector<16xi32> -> vector<16xf32>
        %parallel_loop3A_290 = arith.constant 0 : i32
        %parallel_loop3A_291 = arith.index_cast %parallel_loop3A_290 : i32 to index
        %parallel_loop3A_292 = arith.index_cast %parallel_loop3A_197 : i32 to index
        %parallel_loop3A_293 = arith.constant 80 : index
        %parallel_loop3A_294 = tpu.vector_load %arg10[%parallel_loop3A_291, %parallel_loop3A_292, %parallel_loop3A_293] {strides = array<i32>} : memref<1x64x128xf32, #tpu.memory_space<vmem>>, vector<16xf32>,
        tpu.vector_store %arg10[%parallel_loop3A_291, %parallel_loop3A_292, %parallel_loop3A_293], %parallel_loop3A_289 {strides = array<i32>} : memref<1x64x128xf32, #tpu.memory_space<vmem>>, vector<16xf32>,
        %parallel_loop3A_295 = arith.constant 0 : i32
        %parallel_loop3A_296 = arith.index_cast %parallel_loop3A_295 : i32 to index
        %parallel_loop3A_297 = arith.index_cast %parallel_loop3A_204 : i32 to index
        %parallel_loop3A_298 = arith.constant 16 : index
        %parallel_loop3A_299 = tpu.vector_load %arg6[%parallel_loop3A_296, %parallel_loop3A_297, %parallel_loop3A_298] {strides = array<i32>} : memref<1x64x128xf32, #tpu.memory_space<vmem>>, vector<16xf32>,
        %parallel_loop3A_300 = arith.constant 15 : i32
        %parallel_loop3A_301 = vector.broadcast %parallel_loop3A_300 : i32 to vector<16xi32>
        %parallel_loop3A_302 = tpu.iota {dimensions = array<i32: 0>} : vector<16xi32>
        %parallel_loop3A_303 = arith.subi %parallel_loop3A_301, %parallel_loop3A_302 : vector<16xi32>
        %parallel_loop3A_304 = tpu.dynamic_gather %parallel_loop3A_299[%parallel_loop3A_303] in [0] : vector<16xf32>, vector<16xi32> -> vector<16xf32>
        %parallel_loop3A_305 = arith.constant 0 : i32
        %parallel_loop3A_306 = arith.index_cast %parallel_loop3A_305 : i32 to index
        %parallel_loop3A_307 = arith.index_cast %parallel_loop3A_197 : i32 to index
        %parallel_loop3A_308 = arith.constant 96 : index
        %parallel_loop3A_309 = tpu.vector_load %arg10[%parallel_loop3A_306, %parallel_loop3A_307, %parallel_loop3A_308] {strides = array<i32>} : memref<1x64x128xf32, #tpu.memory_space<vmem>>, vector<16xf32>,
        tpu.vector_store %arg10[%parallel_loop3A_306, %parallel_loop3A_307, %parallel_loop3A_308], %parallel_loop3A_304 {strides = array<i32>} : memref<1x64x128xf32, #tpu.memory_space<vmem>>, vector<16xf32>,
        %parallel_loop3A_310 = arith.constant 0 : i32
        %parallel_loop3A_311 = arith.index_cast %parallel_loop3A_310 : i32 to index
        %parallel_loop3A_312 = arith.index_cast %parallel_loop3A_204 : i32 to index
        %parallel_loop3A_313 = arith.constant 0 : index
        %parallel_loop3A_314 = tpu.vector_load %arg6[%parallel_loop3A_311, %parallel_loop3A_312, %parallel_loop3A_313] {strides = array<i32>} : memref<1x64x128xf32, #tpu.memory_space<vmem>>, vector<16xf32>,
        %parallel_loop3A_315 = arith.constant 15 : i32
        %parallel_loop3A_316 = vector.broadcast %parallel_loop3A_315 : i32 to vector<16xi32>
        %parallel_loop3A_317 = tpu.iota {dimensions = array<i32: 0>} : vector<16xi32>
        %parallel_loop3A_318 = arith.subi %parallel_loop3A_316, %parallel_loop3A_317 : vector<16xi32>
        %parallel_loop3A_319 = tpu.dynamic_gather %parallel_loop3A_314[%parallel_loop3A_318] in [0] : vector<16xf32>, vector<16xi32> -> vector<16xf32>
        %parallel_loop3A_320 = arith.constant 0 : i32
        %parallel_loop3A_321 = arith.index_cast %parallel_loop3A_320 : i32 to index
        %parallel_loop3A_322 = arith.index_cast %parallel_loop3A_197 : i32 to index
        %parallel_loop3A_323 = arith.constant 112 : index
        %parallel_loop3A_324 = tpu.vector_load %arg10[%parallel_loop3A_321, %parallel_loop3A_322, %parallel_loop3A_323] {strides = array<i32>} : memref<1x64x128xf32, #tpu.memory_space<vmem>>, vector<16xf32>,
        tpu.vector_store %arg10[%parallel_loop3A_321, %parallel_loop3A_322, %parallel_loop3A_323], %parallel_loop3A_319 {strides = array<i32>} : memref<1x64x128xf32, #tpu.memory_space<vmem>>, vector<16xf32>,
      } {sc.loop_unroll_factor = 4 : i64, sc.parallel_access}
      %add3A_152 = arith.addi %mul3A_2, %add3A_135 : i32
      %dma_start3A_153 = arith.constant 0 : i32
      %dma_start3A_154 = arith.constant 0 : i32
      %dma_start3A_155 = tpu.memref_slice %arg3[%add3A_152, %dma_start3A_153, %dma_start3A_154] : memref<4096x64x128xf32, #tpu.memory_space<hbm>> -> memref<1x64x128xf32, #tpu.memory_space<hbm>>
      %dma_start3A_156 = arith.constant 0 : i32
      %dma_start3A_157 = arith.constant 0 : i32
      %dma_start3A_158 = tpu.memref_slice %arg3[%add3A_152, %dma_start3A_156, %dma_start3A_157] : memref<4096x64x128xf32, #tpu.memory_space<hbm>> -> memref<1x64x128xf32, #tpu.memory_space<hbm>>
      tpu.enqueue_dma source(%arg10 : memref<1x64x128xf32, #tpu.memory_space<vmem>>) target(%dma_start3A_158 : memref<1x64x128xf32, #tpu.memory_space<hbm>>) target_semaphore(%arg18 : memref<!tpu.dma_semaphore, #tpu.memory_space<semaphore_mem>>)
      %lt3A_159 = arith.constant 31 : i32
      %lt3A_160 = arith.cmpi slt, %scan3A_71, %lt3A_159 : i32
      %convert_element_type3A_161 = arith.extui %lt3A_160 : i1 to i32
      %cond3A_162 = arith.constant 0 : i32
      %cond3A_163 = arith.cmpi ne, %convert_element_type3A_161, %cond3A_162 : i32
      scf.if %cond3A_163 {
        %add3A_197 = arith.constant 4 : i32
        %add3A_198 = arith.addi %add3A_135, %add3A_197 : i32
        %add3A_199 = arith.addi %mul3A_2, %add3A_198 : i32
        %dma_start3A_200 = arith.constant 0 : i32
        %dma_start3A_201 = arith.constant 0 : i32
        %dma_start3A_202 = tpu.memref_slice %arg2[%add3A_199, %dma_start3A_200, %dma_start3A_201] : memref<4096x64x128xf32, #tpu.memory_space<hbm>> -> memref<1x64x128xf32, #tpu.memory_space<hbm>>
        %dma_start3A_203 = arith.constant 0 : i32
        %dma_start3A_204 = arith.constant 0 : i32
        %dma_start3A_205 = tpu.memref_slice %arg2[%add3A_199, %dma_start3A_203, %dma_start3A_204] : memref<4096x64x128xf32, #tpu.memory_space<hbm>> -> memref<1x64x128xf32, #tpu.memory_space<hbm>>
        tpu.enqueue_dma source(%dma_start3A_205 : memref<1x64x128xf32, #tpu.memory_space<hbm>>) target(%arg6 : memref<1x64x128xf32, #tpu.memory_space<vmem>>) target_semaphore(%arg14 : memref<!tpu.dma_semaphore, #tpu.memory_space<semaphore_mem>>)
      } else {
      }
      %mul3A_164 = arith.constant 4 : i32
      %mul3A_165 = arith.muli %mul3A_164, %scan3A_71 : i32
      %add3A_166 = arith.constant 3 : i32
      %add3A_167 = arith.addi %mul3A_165, %add3A_166 : i32
      %dma_wait3A_168 = arith.constant 0 : i32
      %dma_wait3A_169 = arith.constant 0 : i32
      %dma_wait3A_170 = arith.constant 0 : i32
      %dma_wait3A_171 = tpu.memref_slice %arg2[%dma_wait3A_168, %dma_wait3A_169, %dma_wait3A_170] : memref<4096x64x128xf32, #tpu.memory_space<hbm>> -> memref<1x64x128xf32, #tpu.memory_space<hbm>>
      %dma_wait3A_172 = arith.constant 0 : i32
      %dma_wait3A_173 = arith.constant 0 : i32
      %dma_wait3A_174 = arith.constant 0 : i32
      %dma_wait3A_175 = tpu.memref_slice %arg2[%dma_wait3A_172, %dma_wait3A_173, %dma_wait3A_174] : memref<4096x64x128xf32, #tpu.memory_space<hbm>> -> memref<1x64x128xf32, #tpu.memory_space<hbm>>
      tpu.wait_dma2 semaphore(%arg15 : memref<!tpu.dma_semaphore, #tpu.memory_space<semaphore_mem>>) src(%dma_wait3A_175 : memref<1x64x128xf32, #tpu.memory_space<hbm>>) dst(%arg7 : memref<1x64x128xf32, #tpu.memory_space<vmem>>)
      %gt3A_176 = arith.constant 0 : i32
      %gt3A_177 = arith.cmpi sgt, %scan3A_71, %gt3A_176 : i32
      %convert_element_type3A_178 = arith.extui %gt3A_177 : i1 to i32
      %cond3A_179 = arith.constant 0 : i32
      %cond3A_180 = arith.cmpi ne, %convert_element_type3A_178, %cond3A_179 : i32
      scf.if %cond3A_180 {
        %dma_wait3A_197 = arith.constant 0 : i32
        %dma_wait3A_198 = arith.constant 0 : i32
        %dma_wait3A_199 = arith.constant 0 : i32
        %dma_wait3A_200 = tpu.memref_slice %arg3[%dma_wait3A_197, %dma_wait3A_198, %dma_wait3A_199] : memref<4096x64x128xf32, #tpu.memory_space<hbm>> -> memref<1x64x128xf32, #tpu.memory_space<hbm>>
        %dma_wait3A_201 = arith.constant 0 : i32
        %dma_wait3A_202 = arith.constant 0 : i32
        %dma_wait3A_203 = arith.constant 0 : i32
        %dma_wait3A_204 = tpu.memref_slice %arg3[%dma_wait3A_201, %dma_wait3A_202, %dma_wait3A_203] : memref<4096x64x128xf32, #tpu.memory_space<hbm>> -> memref<1x64x128xf32, #tpu.memory_space<hbm>>
        tpu.wait_dma2 semaphore(%arg19 : memref<!tpu.dma_semaphore, #tpu.memory_space<semaphore_mem>>) src(%arg11 : memref<1x64x128xf32, #tpu.memory_space<vmem>>) dst(%dma_wait3A_204 : memref<1x64x128xf32, #tpu.memory_space<hbm>>)
      } else {
      }
      %parallel_loop3A_181 = arith.constant 0 : i32
      %parallel_loop3A_182 = arith.constant 64 : i32
      %parallel_loop3A_183 = arith.constant 1 : i32
      scf.for %parallel_loop3A_197 = %parallel_loop3A_181 to %parallel_loop3A_182 step %parallel_loop3A_183  : i32 {
        %parallel_loop3A_198 = arith.constant 62 : i32
        %parallel_loop3A_199 = arith.subi %parallel_loop3A_198, %parallel_loop3A_197 : i32
        %parallel_loop3A_200 = arith.constant 1 : i32
        %parallel_loop3A_201 = arith.andi %parallel_loop3A_197, %parallel_loop3A_200 : i32
        %parallel_loop3A_202 = arith.constant 2 : i32
        %parallel_loop3A_203 = arith.muli %parallel_loop3A_202, %parallel_loop3A_201 : i32
        %parallel_loop3A_204 = arith.addi %parallel_loop3A_199, %parallel_loop3A_203 : i32
        %parallel_loop3A_205 = arith.constant 0 : i32
        %parallel_loop3A_206 = arith.index_cast %parallel_loop3A_205 : i32 to index
        %parallel_loop3A_207 = arith.index_cast %parallel_loop3A_204 : i32 to index
        %parallel_loop3A_208 = arith.constant 112 : index
        %parallel_loop3A_209 = tpu.vector_load %arg7[%parallel_loop3A_206, %parallel_loop3A_207, %parallel_loop3A_208] {strides = array<i32>} : memref<1x64x128xf32, #tpu.memory_space<vmem>>, vector<16xf32>,
        %parallel_loop3A_210 = arith.constant 15 : i32
        %parallel_loop3A_211 = vector.broadcast %parallel_loop3A_210 : i32 to vector<16xi32>
        %parallel_loop3A_212 = tpu.iota {dimensions = array<i32: 0>} : vector<16xi32>
        %parallel_loop3A_213 = arith.subi %parallel_loop3A_211, %parallel_loop3A_212 : vector<16xi32>
        %parallel_loop3A_214 = tpu.dynamic_gather %parallel_loop3A_209[%parallel_loop3A_213] in [0] : vector<16xf32>, vector<16xi32> -> vector<16xf32>
        %parallel_loop3A_215 = arith.constant 0 : i32
        %parallel_loop3A_216 = arith.index_cast %parallel_loop3A_215 : i32 to index
        %parallel_loop3A_217 = arith.index_cast %parallel_loop3A_197 : i32 to index
        %parallel_loop3A_218 = arith.constant 0 : index
        %parallel_loop3A_219 = tpu.vector_load %arg11[%parallel_loop3A_216, %parallel_loop3A_217, %parallel_loop3A_218] {strides = array<i32>} : memref<1x64x128xf32, #tpu.memory_space<vmem>>, vector<16xf32>,
        tpu.vector_store %arg11[%parallel_loop3A_216, %parallel_loop3A_217, %parallel_loop3A_218], %parallel_loop3A_214 {strides = array<i32>} : memref<1x64x128xf32, #tpu.memory_space<vmem>>, vector<16xf32>,
        %parallel_loop3A_220 = arith.constant 0 : i32
        %parallel_loop3A_221 = arith.index_cast %parallel_loop3A_220 : i32 to index
        %parallel_loop3A_222 = arith.index_cast %parallel_loop3A_204 : i32 to index
        %parallel_loop3A_223 = arith.constant 96 : index
        %parallel_loop3A_224 = tpu.vector_load %arg7[%parallel_loop3A_221, %parallel_loop3A_222, %parallel_loop3A_223] {strides = array<i32>} : memref<1x64x128xf32, #tpu.memory_space<vmem>>, vector<16xf32>,
        %parallel_loop3A_225 = arith.constant 15 : i32
        %parallel_loop3A_226 = vector.broadcast %parallel_loop3A_225 : i32 to vector<16xi32>
        %parallel_loop3A_227 = tpu.iota {dimensions = array<i32: 0>} : vector<16xi32>
        %parallel_loop3A_228 = arith.subi %parallel_loop3A_226, %parallel_loop3A_227 : vector<16xi32>
        %parallel_loop3A_229 = tpu.dynamic_gather %parallel_loop3A_224[%parallel_loop3A_228] in [0] : vector<16xf32>, vector<16xi32> -> vector<16xf32>
        %parallel_loop3A_230 = arith.constant 0 : i32
        %parallel_loop3A_231 = arith.index_cast %parallel_loop3A_230 : i32 to index
        %parallel_loop3A_232 = arith.index_cast %parallel_loop3A_197 : i32 to index
        %parallel_loop3A_233 = arith.constant 16 : index
        %parallel_loop3A_234 = tpu.vector_load %arg11[%parallel_loop3A_231, %parallel_loop3A_232, %parallel_loop3A_233] {strides = array<i32>} : memref<1x64x128xf32, #tpu.memory_space<vmem>>, vector<16xf32>,
        tpu.vector_store %arg11[%parallel_loop3A_231, %parallel_loop3A_232, %parallel_loop3A_233], %parallel_loop3A_229 {strides = array<i32>} : memref<1x64x128xf32, #tpu.memory_space<vmem>>, vector<16xf32>,
        %parallel_loop3A_235 = arith.constant 0 : i32
        %parallel_loop3A_236 = arith.index_cast %parallel_loop3A_235 : i32 to index
        %parallel_loop3A_237 = arith.index_cast %parallel_loop3A_204 : i32 to index
        %parallel_loop3A_238 = arith.constant 80 : index
        %parallel_loop3A_239 = tpu.vector_load %arg7[%parallel_loop3A_236, %parallel_loop3A_237, %parallel_loop3A_238] {strides = array<i32>} : memref<1x64x128xf32, #tpu.memory_space<vmem>>, vector<16xf32>,
        %parallel_loop3A_240 = arith.constant 15 : i32
        %parallel_loop3A_241 = vector.broadcast %parallel_loop3A_240 : i32 to vector<16xi32>
        %parallel_loop3A_242 = tpu.iota {dimensions = array<i32: 0>} : vector<16xi32>
        %parallel_loop3A_243 = arith.subi %parallel_loop3A_241, %parallel_loop3A_242 : vector<16xi32>
        %parallel_loop3A_244 = tpu.dynamic_gather %parallel_loop3A_239[%parallel_loop3A_243] in [0] : vector<16xf32>, vector<16xi32> -> vector<16xf32>
        %parallel_loop3A_245 = arith.constant 0 : i32
        %parallel_loop3A_246 = arith.index_cast %parallel_loop3A_245 : i32 to index
        %parallel_loop3A_247 = arith.index_cast %parallel_loop3A_197 : i32 to index
        %parallel_loop3A_248 = arith.constant 32 : index
        %parallel_loop3A_249 = tpu.vector_load %arg11[%parallel_loop3A_246, %parallel_loop3A_247, %parallel_loop3A_248] {strides = array<i32>} : memref<1x64x128xf32, #tpu.memory_space<vmem>>, vector<16xf32>,
        tpu.vector_store %arg11[%parallel_loop3A_246, %parallel_loop3A_247, %parallel_loop3A_248], %parallel_loop3A_244 {strides = array<i32>} : memref<1x64x128xf32, #tpu.memory_space<vmem>>, vector<16xf32>,
        %parallel_loop3A_250 = arith.constant 0 : i32
        %parallel_loop3A_251 = arith.index_cast %parallel_loop3A_250 : i32 to index
        %parallel_loop3A_252 = arith.index_cast %parallel_loop3A_204 : i32 to index
        %parallel_loop3A_253 = arith.constant 64 : index
        %parallel_loop3A_254 = tpu.vector_load %arg7[%parallel_loop3A_251, %parallel_loop3A_252, %parallel_loop3A_253] {strides = array<i32>} : memref<1x64x128xf32, #tpu.memory_space<vmem>>, vector<16xf32>,
        %parallel_loop3A_255 = arith.constant 15 : i32
        %parallel_loop3A_256 = vector.broadcast %parallel_loop3A_255 : i32 to vector<16xi32>
        %parallel_loop3A_257 = tpu.iota {dimensions = array<i32: 0>} : vector<16xi32>
        %parallel_loop3A_258 = arith.subi %parallel_loop3A_256, %parallel_loop3A_257 : vector<16xi32>
        %parallel_loop3A_259 = tpu.dynamic_gather %parallel_loop3A_254[%parallel_loop3A_258] in [0] : vector<16xf32>, vector<16xi32> -> vector<16xf32>
        %parallel_loop3A_260 = arith.constant 0 : i32
        %parallel_loop3A_261 = arith.index_cast %parallel_loop3A_260 : i32 to index
        %parallel_loop3A_262 = arith.index_cast %parallel_loop3A_197 : i32 to index
        %parallel_loop3A_263 = arith.constant 48 : index
        %parallel_loop3A_264 = tpu.vector_load %arg11[%parallel_loop3A_261, %parallel_loop3A_262, %parallel_loop3A_263] {strides = array<i32>} : memref<1x64x128xf32, #tpu.memory_space<vmem>>, vector<16xf32>,
        tpu.vector_store %arg11[%parallel_loop3A_261, %parallel_loop3A_262, %parallel_loop3A_263], %parallel_loop3A_259 {strides = array<i32>} : memref<1x64x128xf32, #tpu.memory_space<vmem>>, vector<16xf32>,
        %parallel_loop3A_265 = arith.constant 0 : i32
        %parallel_loop3A_266 = arith.index_cast %parallel_loop3A_265 : i32 to index
        %parallel_loop3A_267 = arith.index_cast %parallel_loop3A_204 : i32 to index
        %parallel_loop3A_268 = arith.constant 48 : index
        %parallel_loop3A_269 = tpu.vector_load %arg7[%parallel_loop3A_266, %parallel_loop3A_267, %parallel_loop3A_268] {strides = array<i32>} : memref<1x64x128xf32, #tpu.memory_space<vmem>>, vector<16xf32>,
        %parallel_loop3A_270 = arith.constant 15 : i32
        %parallel_loop3A_271 = vector.broadcast %parallel_loop3A_270 : i32 to vector<16xi32>
        %parallel_loop3A_272 = tpu.iota {dimensions = array<i32: 0>} : vector<16xi32>
        %parallel_loop3A_273 = arith.subi %parallel_loop3A_271, %parallel_loop3A_272 : vector<16xi32>
        %parallel_loop3A_274 = tpu.dynamic_gather %parallel_loop3A_269[%parallel_loop3A_273] in [0] : vector<16xf32>, vector<16xi32> -> vector<16xf32>
        %parallel_loop3A_275 = arith.constant 0 : i32
        %parallel_loop3A_276 = arith.index_cast %parallel_loop3A_275 : i32 to index
        %parallel_loop3A_277 = arith.index_cast %parallel_loop3A_197 : i32 to index
        %parallel_loop3A_278 = arith.constant 64 : index
        %parallel_loop3A_279 = tpu.vector_load %arg11[%parallel_loop3A_276, %parallel_loop3A_277, %parallel_loop3A_278] {strides = array<i32>} : memref<1x64x128xf32, #tpu.memory_space<vmem>>, vector<16xf32>,
        tpu.vector_store %arg11[%parallel_loop3A_276, %parallel_loop3A_277, %parallel_loop3A_278], %parallel_loop3A_274 {strides = array<i32>} : memref<1x64x128xf32, #tpu.memory_space<vmem>>, vector<16xf32>,
        %parallel_loop3A_280 = arith.constant 0 : i32
        %parallel_loop3A_281 = arith.index_cast %parallel_loop3A_280 : i32 to index
        %parallel_loop3A_282 = arith.index_cast %parallel_loop3A_204 : i32 to index
        %parallel_loop3A_283 = arith.constant 32 : index
        %parallel_loop3A_284 = tpu.vector_load %arg7[%parallel_loop3A_281, %parallel_loop3A_282, %parallel_loop3A_283] {strides = array<i32>} : memref<1x64x128xf32, #tpu.memory_space<vmem>>, vector<16xf32>,
        %parallel_loop3A_285 = arith.constant 15 : i32
        %parallel_loop3A_286 = vector.broadcast %parallel_loop3A_285 : i32 to vector<16xi32>
        %parallel_loop3A_287 = tpu.iota {dimensions = array<i32: 0>} : vector<16xi32>
        %parallel_loop3A_288 = arith.subi %parallel_loop3A_286, %parallel_loop3A_287 : vector<16xi32>
        %parallel_loop3A_289 = tpu.dynamic_gather %parallel_loop3A_284[%parallel_loop3A_288] in [0] : vector<16xf32>, vector<16xi32> -> vector<16xf32>
        %parallel_loop3A_290 = arith.constant 0 : i32
        %parallel_loop3A_291 = arith.index_cast %parallel_loop3A_290 : i32 to index
        %parallel_loop3A_292 = arith.index_cast %parallel_loop3A_197 : i32 to index
        %parallel_loop3A_293 = arith.constant 80 : index
        %parallel_loop3A_294 = tpu.vector_load %arg11[%parallel_loop3A_291, %parallel_loop3A_292, %parallel_loop3A_293] {strides = array<i32>} : memref<1x64x128xf32, #tpu.memory_space<vmem>>, vector<16xf32>,
        tpu.vector_store %arg11[%parallel_loop3A_291, %parallel_loop3A_292, %parallel_loop3A_293], %parallel_loop3A_289 {strides = array<i32>} : memref<1x64x128xf32, #tpu.memory_space<vmem>>, vector<16xf32>,
        %parallel_loop3A_295 = arith.constant 0 : i32
        %parallel_loop3A_296 = arith.index_cast %parallel_loop3A_295 : i32 to index
        %parallel_loop3A_297 = arith.index_cast %parallel_loop3A_204 : i32 to index
        %parallel_loop3A_298 = arith.constant 16 : index
        %parallel_loop3A_299 = tpu.vector_load %arg7[%parallel_loop3A_296, %parallel_loop3A_297, %parallel_loop3A_298] {strides = array<i32>} : memref<1x64x128xf32, #tpu.memory_space<vmem>>, vector<16xf32>,
        %parallel_loop3A_300 = arith.constant 15 : i32
        %parallel_loop3A_301 = vector.broadcast %parallel_loop3A_300 : i32 to vector<16xi32>
        %parallel_loop3A_302 = tpu.iota {dimensions = array<i32: 0>} : vector<16xi32>
        %parallel_loop3A_303 = arith.subi %parallel_loop3A_301, %parallel_loop3A_302 : vector<16xi32>
        %parallel_loop3A_304 = tpu.dynamic_gather %parallel_loop3A_299[%parallel_loop3A_303] in [0] : vector<16xf32>, vector<16xi32> -> vector<16xf32>
        %parallel_loop3A_305 = arith.constant 0 : i32
        %parallel_loop3A_306 = arith.index_cast %parallel_loop3A_305 : i32 to index
        %parallel_loop3A_307 = arith.index_cast %parallel_loop3A_197 : i32 to index
        %parallel_loop3A_308 = arith.constant 96 : index
        %parallel_loop3A_309 = tpu.vector_load %arg11[%parallel_loop3A_306, %parallel_loop3A_307, %parallel_loop3A_308] {strides = array<i32>} : memref<1x64x128xf32, #tpu.memory_space<vmem>>, vector<16xf32>,
        tpu.vector_store %arg11[%parallel_loop3A_306, %parallel_loop3A_307, %parallel_loop3A_308], %parallel_loop3A_304 {strides = array<i32>} : memref<1x64x128xf32, #tpu.memory_space<vmem>>, vector<16xf32>,
        %parallel_loop3A_310 = arith.constant 0 : i32
        %parallel_loop3A_311 = arith.index_cast %parallel_loop3A_310 : i32 to index
        %parallel_loop3A_312 = arith.index_cast %parallel_loop3A_204 : i32 to index
        %parallel_loop3A_313 = arith.constant 0 : index
        %parallel_loop3A_314 = tpu.vector_load %arg7[%parallel_loop3A_311, %parallel_loop3A_312, %parallel_loop3A_313] {strides = array<i32>} : memref<1x64x128xf32, #tpu.memory_space<vmem>>, vector<16xf32>,
        %parallel_loop3A_315 = arith.constant 15 : i32
        %parallel_loop3A_316 = vector.broadcast %parallel_loop3A_315 : i32 to vector<16xi32>
        %parallel_loop3A_317 = tpu.iota {dimensions = array<i32: 0>} : vector<16xi32>
        %parallel_loop3A_318 = arith.subi %parallel_loop3A_316, %parallel_loop3A_317 : vector<16xi32>
        %parallel_loop3A_319 = tpu.dynamic_gather %parallel_loop3A_314[%parallel_loop3A_318] in [0] : vector<16xf32>, vector<16xi32> -> vector<16xf32>
        %parallel_loop3A_320 = arith.constant 0 : i32
        %parallel_loop3A_321 = arith.index_cast %parallel_loop3A_320 : i32 to index
        %parallel_loop3A_322 = arith.index_cast %parallel_loop3A_197 : i32 to index
        %parallel_loop3A_323 = arith.constant 112 : index
        %parallel_loop3A_324 = tpu.vector_load %arg11[%parallel_loop3A_321, %parallel_loop3A_322, %parallel_loop3A_323] {strides = array<i32>} : memref<1x64x128xf32, #tpu.memory_space<vmem>>, vector<16xf32>,
        tpu.vector_store %arg11[%parallel_loop3A_321, %parallel_loop3A_322, %parallel_loop3A_323], %parallel_loop3A_319 {strides = array<i32>} : memref<1x64x128xf32, #tpu.memory_space<vmem>>, vector<16xf32>,
      } {sc.loop_unroll_factor = 4 : i64, sc.parallel_access}
      %add3A_184 = arith.addi %mul3A_2, %add3A_167 : i32
      %dma_start3A_185 = arith.constant 0 : i32
      %dma_start3A_186 = arith.constant 0 : i32
      %dma_start3A_187 = tpu.memref_slice %arg3[%add3A_184, %dma_start3A_185, %dma_start3A_186] : memref<4096x64x128xf32, #tpu.memory_space<hbm>> -> memref<1x64x128xf32, #tpu.memory_space<hbm>>
      %dma_start3A_188 = arith.constant 0 : i32
      %dma_start3A_189 = arith.constant 0 : i32
      %dma_start3A_190 = tpu.memref_slice %arg3[%add3A_184, %dma_start3A_188, %dma_start3A_189] : memref<4096x64x128xf32, #tpu.memory_space<hbm>> -> memref<1x64x128xf32, #tpu.memory_space<hbm>>
      tpu.enqueue_dma source(%arg11 : memref<1x64x128xf32, #tpu.memory_space<vmem>>) target(%dma_start3A_190 : memref<1x64x128xf32, #tpu.memory_space<hbm>>) target_semaphore(%arg19 : memref<!tpu.dma_semaphore, #tpu.memory_space<semaphore_mem>>)
      %lt3A_191 = arith.constant 31 : i32
      %lt3A_192 = arith.cmpi slt, %scan3A_71, %lt3A_191 : i32
      %convert_element_type3A_193 = arith.extui %lt3A_192 : i1 to i32
      %cond3A_194 = arith.constant 0 : i32
      %cond3A_195 = arith.cmpi ne, %convert_element_type3A_193, %cond3A_194 : i32
      scf.if %cond3A_195 {
        %add3A_197 = arith.constant 4 : i32
        %add3A_198 = arith.addi %add3A_167, %add3A_197 : i32
        %add3A_199 = arith.addi %mul3A_2, %add3A_198 : i32
        %dma_start3A_200 = arith.constant 0 : i32
        %dma_start3A_201 = arith.constant 0 : i32
        %dma_start3A_202 = tpu.memref_slice %arg2[%add3A_199, %dma_start3A_200, %dma_start3A_201] : memref<4096x64x128xf32, #tpu.memory_space<hbm>> -> memref<1x64x128xf32, #tpu.memory_space<hbm>>
        %dma_start3A_203 = arith.constant 0 : i32
        %dma_start3A_204 = arith.constant 0 : i32
        %dma_start3A_205 = tpu.memref_slice %arg2[%add3A_199, %dma_start3A_203, %dma_start3A_204] : memref<4096x64x128xf32, #tpu.memory_space<hbm>> -> memref<1x64x128xf32, #tpu.memory_space<hbm>>
        tpu.enqueue_dma source(%dma_start3A_205 : memref<1x64x128xf32, #tpu.memory_space<hbm>>) target(%arg7 : memref<1x64x128xf32, #tpu.memory_space<vmem>>) target_semaphore(%arg15 : memref<!tpu.dma_semaphore, #tpu.memory_space<semaphore_mem>>)
      } else {
      }
      %scan3A_196 = arith.constant 0 : i32
      scf.yield %scan3A_196 : i32
    }
    %scan3A_39 = arith.constant 32 : i32
    %dma_wait3A = arith.constant 0 : i32
    %dma_wait3A_40 = arith.constant 0 : i32
    %dma_wait3A_41 = arith.constant 0 : i32
    %dma_wait3A_42 = tpu.memref_slice %arg3[%dma_wait3A, %dma_wait3A_40, %dma_wait3A_41] : memref<4096x64x128xf32, #tpu.memory_space<hbm>> -> memref<1x64x128xf32, #tpu.memory_space<hbm>>
    %dma_wait3A_43 = arith.constant 0 : i32
    %dma_wait3A_44 = arith.constant 0 : i32
    %dma_wait3A_45 = arith.constant 0 : i32
    %dma_wait3A_46 = tpu.memref_slice %arg3[%dma_wait3A_43, %dma_wait3A_44, %dma_wait3A_45] : memref<4096x64x128xf32, #tpu.memory_space<hbm>> -> memref<1x64x128xf32, #tpu.memory_space<hbm>>
    tpu.wait_dma2 semaphore(%arg16 : memref<!tpu.dma_semaphore, #tpu.memory_space<semaphore_mem>>) src(%arg8 : memref<1x64x128xf32, #tpu.memory_space<vmem>>) dst(%dma_wait3A_46 : memref<1x64x128xf32, #tpu.memory_space<hbm>>)
    %dma_wait3A_47 = arith.constant 0 : i32
    %dma_wait3A_48 = arith.constant 0 : i32
    %dma_wait3A_49 = arith.constant 0 : i32
    %dma_wait3A_50 = tpu.memref_slice %arg3[%dma_wait3A_47, %dma_wait3A_48, %dma_wait3A_49] : memref<4096x64x128xf32, #tpu.memory_space<hbm>> -> memref<1x64x128xf32, #tpu.memory_space<hbm>>
    %dma_wait3A_51 = arith.constant 0 : i32
    %dma_wait3A_52 = arith.constant 0 : i32
    %dma_wait3A_53 = arith.constant 0 : i32
    %dma_wait3A_54 = tpu.memref_slice %arg3[%dma_wait3A_51, %dma_wait3A_52, %dma_wait3A_53] : memref<4096x64x128xf32, #tpu.memory_space<hbm>> -> memref<1x64x128xf32, #tpu.memory_space<hbm>>
    tpu.wait_dma2 semaphore(%arg17 : memref<!tpu.dma_semaphore, #tpu.memory_space<semaphore_mem>>) src(%arg9 : memref<1x64x128xf32, #tpu.memory_space<vmem>>) dst(%dma_wait3A_54 : memref<1x64x128xf32, #tpu.memory_space<hbm>>)
    %dma_wait3A_55 = arith.constant 0 : i32
    %dma_wait3A_56 = arith.constant 0 : i32
    %dma_wait3A_57 = arith.constant 0 : i32
    %dma_wait3A_58 = tpu.memref_slice %arg3[%dma_wait3A_55, %dma_wait3A_56, %dma_wait3A_57] : memref<4096x64x128xf32, #tpu.memory_space<hbm>> -> memref<1x64x128xf32, #tpu.memory_space<hbm>>
    %dma_wait3A_59 = arith.constant 0 : i32
    %dma_wait3A_60 = arith.constant 0 : i32
    %dma_wait3A_61 = arith.constant 0 : i32
    %dma_wait3A_62 = tpu.memref_slice %arg3[%dma_wait3A_59, %dma_wait3A_60, %dma_wait3A_61] : memref<4096x64x128xf32, #tpu.memory_space<hbm>> -> memref<1x64x128xf32, #tpu.memory_space<hbm>>
    tpu.wait_dma2 semaphore(%arg18 : memref<!tpu.dma_semaphore, #tpu.memory_space<semaphore_mem>>) src(%arg10 : memref<1x64x128xf32, #tpu.memory_space<vmem>>) dst(%dma_wait3A_62 : memref<1x64x128xf32, #tpu.memory_space<hbm>>)
    %dma_wait3A_63 = arith.constant 0 : i32
    %dma_wait3A_64 = arith.constant 0 : i32
    %dma_wait3A_65 = arith.constant 0 : i32
    %dma_wait3A_66 = tpu.memref_slice %arg3[%dma_wait3A_63, %dma_wait3A_64, %dma_wait3A_65] : memref<4096x64x128xf32, #tpu.memory_space<hbm>> -> memref<1x64x128xf32, #tpu.memory_space<hbm>>
    %dma_wait3A_67 = arith.constant 0 : i32
    %dma_wait3A_68 = arith.constant 0 : i32
    %dma_wait3A_69 = arith.constant 0 : i32
    %dma_wait3A_70 = tpu.memref_slice %arg3[%dma_wait3A_67, %dma_wait3A_68, %dma_wait3A_69] : memref<4096x64x128xf32, #tpu.memory_space<hbm>> -> memref<1x64x128xf32, #tpu.memory_space<hbm>>
    tpu.wait_dma2 semaphore(%arg19 : memref<!tpu.dma_semaphore, #tpu.memory_space<semaphore_mem>>) src(%arg11 : memref<1x64x128xf32, #tpu.memory_space<vmem>>) dst(%dma_wait3A_70 : memref<1x64x128xf32, #tpu.memory_space<hbm>>)
    return
  }
}

</mosaic_0001>

<sc_bundles>
// kernel: _flip.3.cloned.1.call-start
scs
__scs_entry_jumppad:
0x0: {  	(pc) =	sbr.rel $0x88, $3  }
0x1: {  	(tag) =	ssettag $0x0;
	lr =	simm.s32 $0x1  }
0x2: {  	[smem:$0x3FA0] =	sst lr;
	_ =	strace $0xD0000000  }
0x3: {  	_ = 	snop  }
0x4: {  	_ = 	snop  }
0x5: {  	_ = 	snop  }
0x6: {  	_ = 	snop  }
0x7: {  	_ = 	snop  }
__scs_overlays_trampoline_lowered:
0x8: {  	[smem:$0x3FAF] =	sst s0  }
0x9: {  	[smem:$0x3FB0] =	sst s1  }
0xa: {  	[smem:$0x3FB1] =	sst s2  }
0xb: {  	[smem:$0x3FB2] =	sst s3  }
0xc: {  	[smem:$0x3FB3] =	sst s4  }
0xd: {  	[smem:$0x3FB4] =	sst s5  }
0xe: {  	[smem:$0x3FB5] =	sst s6  }
0xf: {  	[smem:$0x3FB6] =	sst s7  }
0x10: {  	[smem:$0x3FB7] =	sst s8  }
0x11: {  	[smem:$0x3FB8] =	sst s9;
	s0 =	simm.s32 @!p0 $0x0  }
0x12: {  	s1 =	sld [smem:$0x3F9E];
	s0 =	simm.s32 @p0 $0x1  }
0x13: {  	[smem:$0x3FB9] =	sst s0;
	s0 =	simm.s32 @!p1 $0x0  }
0x14: {  	s2 =	sld [smem:$0x3F9D];
	s0 =	simm.s32 @p1 $0x1  }
0x15: {  	[smem:$0x3FBA] =	sst s0;
	s0 =	simm.s32 @!p2 $0x0  }
0x16: {  	s3 =	sld [smem:$0x3FDB];
	s0 =	simm.s32 @p2 $0x1  }
0x17: {  	s4 =	simm.s32 $0x1BF5;
	[smem:$0x3FBC] =	sst s0  }
0x18: {  	s0 =	sld [smem:$0x3F9F];
	_ =	swait.ge [sflag:s4], $0x0  }
0x19: {  	s7 =	sld [smem:$0x3FA0]  }
0x1a: {  	s8 =	sadd.s32 $0xFFFFE003, lr  }
0x1b: {  	s9 =	sadd.s32 $0xFFFFFEF7, lr;
	s5 =	simm.s32 $0xFFFFFFFF;
	p2 =	slt.u32 s8, $0xFFFFF086  }
0x1c: {  	p1 =	slt.u32 s9, $0xF7A;
	s5 =	simm.s32 @!p2 $0x0  }
0x1d: {  	s5 =	simm.s32 @p1 $0x1;
	p0 =	seq.s32 s7, s2  }
0x1e: {  	s7 =	smul.u32 @!p0 $0xF7A, s2;
	p2 =	seq.s32 @!p0 s5, $0x0  }
0x1f: {  	s9 =	smul.u32 $0xF7A, s1;
	s8 =	simm.s32 @!p0 $0x1BF5;
	p2 =	por !p2, p0  }
0x20: {  	[sflag:s8] =	ssyncset.s32 @!p0 $0xFFFFF086;
	s6 =	sadd.s32 @!p0 s3, s7;
	s7 =	simm.s32 @!p0 $0x108  }
0x21: {  	s3 =	sadd.s32 s3, s9;
	s6 =	sadd.s32 @!p0 $0x88, s6;
	s7 =	simm.s32 @p2 $0x1082  }
0x22: {  	[simem:s7], [sflag:s8] =	dma.local @!p0 [hbm:s6], $0xF7A  }
0x23: {  	s9 =	sor.u32 $0xD0000000, s2;
	s6 =	simm.s32 $0x108;
	_ =	swait.ge @!p0 [sflag:s8], $0x0  }
0x24: {  	s3 =	sadd.s32 $0x88, s3;
	s6 =	simm.s32 @!p1 $0x1082;
	[sflag:s4] =	ssyncset.s32 $0xFFFFF086  }
0x25: {  	[simem:s6], [sflag:s4] =	dma.local [hbm:s3], $0xF7A  }
0x26: {  	[smem:$0x3FA0] =	sst s1;
	(tag) =	ssettag s2;
	_ =	strace s9  }
0x27: {  	s1 =	sld [smem:$0x3FB0]  }
0x28: {  	s2 =	sld [smem:$0x3FB1]  }
0x29: {  	s4 =	sld [smem:$0x3FB3]  }
0x2a: {  	p0 =	seq.s32 s5, $0x0;
	s5 =	sld [smem:$0x3FB4]  }
0x2b: {  	s6 =	sld [smem:$0x3FB5]  }
0x2c: {  	s7 =	sld [smem:$0x3FB6]  }
0x2d: {  	s3 =	simm.s32 $0x108;
	s8 =	sld [smem:$0x3FB7]  }
0x2e: {  	s3 =	simm.s32 @!p0 $0x1082;
	s9 =	sld [smem:$0x3FB8]  }
0x2f: {  	lr =	sadd.s32 s0, s3;
	s0 =	sld [smem:$0x3FAF]  }
0x30: {  	s3 =	sld [smem:$0x3FB2]  }
0x31: {  	[smem:$0x3FBB] =	sst s10  }
0x32: {  	s10 =	sld [smem:$0x3FB9];
	_ =	sdelay $0x3  }
0x33: {  	p0 =	seq.s32 s10, $0x1;
	s10 =	sld [smem:$0x3FBB];
	_ =	sdelay $0x3  }
0x34: {  	[smem:$0x3FBB] =	sst s10  }
0x35: {  	s10 =	sld [smem:$0x3FBA];
	_ =	sdelay $0x3  }
0x36: {  	p1 =	seq.s32 s10, $0x1;
	s10 =	sld [smem:$0x3FBB];
	_ =	sdelay $0x3  }
0x37: {  	[smem:$0x3FBB] =	sst s10  }
0x38: {  	s10 =	sld [smem:$0x3FBC]  }
0x39: {  	_ = 	snop;
	(pc) =	sbr.ind lr, $3  }
0x3a: {  	_ = 	snop  }
0x3b: {  	_ = 	snop  }
0x3c: {  	p2 =	seq.s32 s10, $0x1;
	s10 =	sld [smem:$0x3FBB]  }
0x3d: {  	_ =	shalt  }
0x3e: {  	_ =	shalt  }
0x3f: {  	_ =	shalt  }
0x40: {  	_ =	shalt  }
0x41: {  	_ =	shalt  }
0x42: {  	_ =	shalt  }
0x43: {  	_ =	shalt  }
0x44: {  	_ =	shalt  }
0x45: {  	_ =	shalt  }
0x46: {  	_ =	shalt  }
0x47: {  	_ =	shalt  }
0x48: {  	_ =	shalt  }
0x49: {  	_ =	shalt  }
0x4a: {  	_ =	shalt  }
0x4b: {  	_ =	shalt  }
0x4c: {  	_ =	shalt  }
0x4d: {  	_ =	shalt  }
0x4e: {  	_ =	shalt  }
0x4f: {  	_ =	shalt  }
0x50: {  	_ =	shalt  }
0x51: {  	_ =	shalt  }
0x52: {  	_ =	shalt  }
0x53: {  	_ =	shalt  }
0x54: {  	_ =	shalt  }
0x55: {  	_ =	shalt  }
0x56: {  	_ =	shalt  }
0x57: {  	_ =	shalt  }
0x58: {  	_ =	shalt  }
0x59: {  	_ =	shalt  }
0x5a: {  	_ =	shalt  }
0x5b: {  	_ =	shalt  }
0x5c: {  	_ =	shalt  }
0x5d: {  	_ =	shalt  }
0x5e: {  	_ =	shalt  }
0x5f: {  	_ =	shalt  }
0x60: {  	_ =	shalt  }
0x61: {  	_ =	shalt  }
0x62: {  	_ =	shalt  }
0x63: {  	_ =	shalt  }
0x64: {  	_ =	shalt  }
0x65: {  	_ =	shalt  }
0x66: {  	_ =	shalt  }
0x67: {  	_ =	shalt  }
0x68: {  	_ =	shalt  }
0x69: {  	_ =	shalt  }
0x6a: {  	_ =	shalt  }
0x6b: {  	_ =	shalt  }
0x6c: {  	_ =	shalt  }
0x6d: {  	_ =	shalt  }
0x6e: {  	_ =	shalt  }
0x6f: {  	_ =	shalt  }
0x70: {  	_ =	shalt  }
0x71: {  	_ =	shalt  }
0x72: {  	_ =	shalt  }
0x73: {  	_ =	shalt  }
0x74: {  	_ =	shalt  }
0x75: {  	_ =	shalt  }
0x76: {  	_ =	shalt  }
0x77: {  	_ =	shalt  }
0x78: {  	_ =	shalt  }
0x79: {  	_ =	shalt  }
0x7a: {  	_ =	shalt  }
0x7b: {  	_ =	shalt  }
0x7c: {  	_ =	shalt  }
0x7d: {  	_ =	shalt  }
0x7e: {  	_ =	shalt  }
0x7f: {  	_ =	shalt  }
0x80: {  	_ =	shalt  }
0x81: {  	_ =	shalt  }
0x82: {  	_ =	shalt  }
0x83: {  	_ =	shalt  }
0x84: {  	_ =	shalt  }
0x85: {  	_ =	shalt  }
0x86: {  	_ =	shalt  }
0x87: {  	_ =	shalt  }
.Lfunc_end0:
.L_simem_size_0:
called_computation_lowered:
.L_overlay_start_0:
0x88: {  	s2 =	sld [smem:$0x3FD9]  }
0x89: {  	s3 =	sld [smem:$0x3FFE];
	_ =	sdelay $0x1  }
0x8a: {  	s1 =	srdreg.scid  }
0x8b: {  	s0 =	sand.u32 $0x1, s1  }
0x8c: {  	s18 =	sshll.u32 s0, $0xA;
	s2 =	sadd.s32 s3, s2  }
0x8d: {  	s2 =	sadd.s32 s2, s18  }
0x8e: {  	[smem:$0x3FC7] =	sst s2  }
0x8f: {  	_ = 	snop  }
0x90: {  	s2 =	sld [smem:$0x3FC9]  }
0x91: {  	s19 =	sld [smem:$0x3FD0];
	(tm) =	ssettm $0x1  }
0x92: {  	s4 =	sld [smem:$0x3FFB];
	_ =	sdelay $0x3  }
0x93: {  	_ =	strace s4  }
0x94: {  	s4 =	sld [smem:$0x3FFC];
	_ =	sdelay $0x3  }
0x95: {  	_ =	strace s4  }
0x96: {  	s4 =	sld [smem:$0x3FFD];
	_ =	sdelay $0x3  }
0x97: {  	_ =	strace s4  }
0x98: {  	_ =	strace $0x8FFFFFFF  }
0x99: {  	s20 =	sld [smem:$0x3FDB];
	_ =	sdelay $0x1  }
0x9a: {  	s5 =	simm.s32 $_scs_section_size  }
0x9b: {  	s6 =	simm.s32 $_size__tile_overlayer_lowered;
	s7 =	simm.s32 $_tile_overlayer_lowered  }
0x9c: {  	s23 =	simm.s32 $0x1BFF;
	s22 =	sshll.u32 s7, $0x1;
	s4 =	sadd.s32 s5, s20  }
0x9d: {  	s8 =	simm.s32 $0x0;
	s21 =	sshll.u32 s6, $0x1;
	s6 =	sadd.s32 s22, s4  }
0x9e: {  	[timem:s8], [sflag:s23] =	dma.local [hbm:s6], s21  }
0x9f: {  	_ =	swait.ge [sflag:s23], s21  }
0xa0: {  	s5 =	ssub.s32 $0x0, s21;
	[sflag:s23] =	ssyncset.done $0x0  }
0xa1: {  	[sflag:s23] =	ssyncadd.s32 s5;
	_ =	sdelay $0x1  }
0xa2: {  	s24 =	simm.s32 $0x1B8B  }
0xa3: {  	_ =	swait.ge [sflag:s24], $0x1  }
0xa4: {  	[sflag:s24] =	ssyncset.done $0x0  }
0xa5: {  	s25 =	simm.s32 $0x1B8E;
	[sflag:s24] =	ssyncadd.s32 $0xFFFFFFFF  }
0xa6: {  	s26 =	simm.s32 $execute0_lowered;
	[smem:$0x3FD2] =	sst s25  }
0xa7: {  	s5 =	sshll.u32 s26, $0x1;
	_ =	strace $0x80000046;
	[dreg:$0x1] =	wrdreg $0xFFFFFFFF  }
0xa8: {  	s28 =	simm.s32 $_size_execute0_lowered;
	s4 =	sadd.s32 s4, s5;
	[dreg:$0x0] =	wrdreg $0x0  }
0xa9: {  	s5 =	sshll.u32 s28, $0x1;
	[dreg:$0x2] =	wrdreg s4  }
0xaa: {  	[dreg:$0x3] =	wrdreg s5  }
0xab: {  	[dreg:$0x4] =	wrdreg $0xC0  }
0xac: {  	_ =	task [dreg:s8], $0x5FFFF  }
0xad: {  	[dreg:$0x1] =	wrdreg $0xFFFFFFFF  }
0xae: {  	[dreg:$0x0] =	wrdreg $0x60  }
0xaf: {  	[dreg:$0x2] =	wrdreg s2  }
0xb0: {  	[dreg:$0x3] =	wrdreg s19  }
0xb1: {  	[dreg:$0x4] =	wrdreg $0x9  }
0xb2: {  	_ =	task.clear_ibuf [dreg:s8], $0x5FFFF;
	_ =	strace $0x90000046  }
0xb3: {  	s29 =	simm.s32 $0x9;
	_ =	strace $0x80000048  }
0xb4: {  	_ =	swait.ge [sflag:s29], $0x1  }
0xb5: {  	[sflag:s29] =	ssyncadd.s32 $0xFFFFFFFF  }
0xb6: {  	_ =	strace $0x90000048  }
0xb7: {  	_ =	sfence  }
0xb8: {  	s30 =	sld [smem:$0x0];
	_ =	sdelay $0x2  }
0xb9: {  	s31 =	sshll.u32 s1, $0xD;
	s1 =	sshrl.u32 s1, $0x2  }
0xba: {  	s3 =	sand.u32 $0x4000, s31;
	s1 =	sadd.s32 s1, s30  }
0xbb: {  	s0 =	sor.u32 s3, s0;
	s1 =	sshll.u32 s1, $0x11  }
0xbc: {  	s0 =	sor.u32 s1, s0  }
0xbd: {  	s0 =	sadd.s32 $0x8F2B, s0  }
0xbe: {  	[sflag:s0] =	ssyncadd.remote.s32 $0x1  }
0xbf: {  	_ =	sfence.sel $0xFFFF  }
0xc0: {  	[dreg:$0x0] =	wrdreg $0xFFFFFFFF;
	(pc) =	sbr.abs _section_cstart, $3  }
0xc1: {  	[dreg:$0x1] =	wrdreg $0xFFFFFFFF  }
0xc2: {  	_ =	task.clear_ibuf [dreg:s8], $0x2FFFF;
	_ =	strace $0x9FFFFFFF  }
0xc3: {  	(tm) =	ssettm $0x7FFFFFFF  }
tec
execute0_lowered:
.L_overlay_start_1:
0x0: {  	(tag) =	ssettag $0x1  }
0x1: {  	s2 =	rddreg [dreg:$0x0];
	s0 =	srdreg.scid  }
0x2: {  	s3 =	rddreg [dreg:$0x1];
	s1 =	stileid.u32;
	s4 =	simm.s32 $0x0  }
0x3: {  	s17 =	simm.s32 $0x6000;
	s18 =	simm.s32 $0x1;
	s19 =	simm.s32 $0x8000  }
0x4: {  	s20 =	simm.s32 $0x2;
	s21 =	simm.s32 $0xA000;
	s22 =	simm.s32 $0x3  }
0x5: {  	s23 =	simm.s32 $0xC000;
	s28 =	simm.s32 $0x6;
	s29 =	simm.s32 $0x7  }
0x6: {  	s30 =	simm.s32 $0x8;
	s31 =	simm.s32 $0x0;
	s0 =	sand.u32 $0x1, s0  }
0x7: {  	s1 =	sshll.u32 s1, $0x8;
	s5 =	sshll.u32 s0, $0x7;
	s0 =	ssub.s32 $0x2, s0  }
0x8: {  	[smem:$0x7FF] =	sst s4;
	s5 =	sor.u32 s5, s1;
	s24 =	sshrl.u32 s0, $0x1  }
0x9: {  	_ =	strace $0x80000047;
	s6 =	sshll.u32 s5, $0xA;
	s0 =	ssub.s32 s0, s24  }
0xa: {  	s10 =	sor.u32 $0x4, s5;
	s11 =	sor.u32 $0x5, s5;
	s25 =	sadd.s32 s2, s6  }
.Ltmp0:
0xb: {  	s0 =	smax.u32 s0, $0x1;
	[dreg:$0x3] =	wrdreg s25;
	(pc) =	sbr.rel .LBB2_1-.Ltmp0, $4  }
0xc: {  	v0 =	vlaneseq.u32;
	s12 =	sor.u32 $0x6, s5;
	s6 =	sadd.s32 $0x400, s25;
	[dreg:$0x7] =	wrdreg s0  }
0xd: {  	v0 =	vmul.u32 $0xFFFFFFFF, v0;
	s13 =	sor.u32 $0x7, s5;
	s26 =	sadd.s32 $0x800, s25;
	[dreg:$0x4] =	wrdreg s6  }
0xe: {  	s24 =	simm.s32 $0x4;
	s1 =	sadd.s32 $0xC00, s25;
	[dreg:$0x5] =	wrdreg s26  }
0xf: {  	v0 =	vadd.s32 $0xF, v0;
	s25 =	simm.s32 $0xE000;
	[dreg:$0x6] =	wrdreg s1;
	s26 =	simm.s32 $0x5  }
.LBB2_12:
0x10: {  	_ =	swait.ge [sflag:s26], $0x2000  }
0x11: {  	[sflag:s26] =	ssyncset.done $0x0  }
0x12: {  	[sflag:s26] =	ssyncadd.s32 $0xFFFFE000  }
0x13: {  	_ =	swait.ge [sflag:s28], $0x2000  }
0x14: {  	[sflag:s28] =	ssyncset.done $0x0  }
0x15: {  	[sflag:s28] =	ssyncadd.s32 $0xFFFFE000  }
0x16: {  	_ =	swait.ge [sflag:s29], $0x2000  }
0x17: {  	[sflag:s29] =	ssyncset.done $0x0  }
0x18: {  	[sflag:s29] =	ssyncadd.s32 $0xFFFFE000  }
0x19: {  	_ =	swait.ge [sflag:s30], $0x2000  }
0x1a: {  	s31 =	sadd.s32 $0x1, s31;
	s0 =	rddreg [dreg:$0x7]  }
0x1b: {  	p0 =	sne.s32 s31, s0  }
.Ltmp1:
0x1c: {  	_ = 	snop;
	(pc) =	sbr.rel @!p0 .LBB2_13-.Ltmp1, $3  }
0x1d: {  	_ =	sdelay $0x1  }
0x1e: {  	[sflag:s30] =	ssyncset.done $0x0  }
0x1f: {  	[sflag:s30] =	ssyncadd.s32 $0xFFFFE000  }
.LBB2_1:
0x20: {  	s0 =	rddreg [dreg:$0x3]  }
0x21: {  	[tilespmem:s4], [sflag:$0x1] =	stream.linear.gather [hbm4b:s0+s4], $0x2000, $0x38;
	[tilespmem:$0x10000] =	vst v63  }
0x22: {  	s9 =	rddreg [dreg:$0x4];
	s1 =	simm.s32 $0x2000  }
0x23: {  	[tilespmem:s1], [sflag:$0x2] =	stream.linear.gather [hbm4b:s9+s4], $0x2000, $0x38;
	[tilespmem:$0x10000] =	vst v63  }
0x24: {  	s14 =	rddreg [dreg:$0x5];
	s15 =	simm.s32 $0x4000  }
0x25: {  	[tilespmem:s15], [sflag:$0x3] =	stream.linear.gather [hbm4b:s14+s4], $0x2000, $0x38;
	[tilespmem:$0x10000] =	vst v63  }
0x26: {  	s16 =	rddreg [dreg:$0x6];
	s0 =	simm.s32 $0x0  }
0x27: {  	[tilespmem:s17], [sflag:$0x4] =	stream.linear.gather [hbm4b:s16+s4], $0x2000, $0x38;
	[tilespmem:$0x10000] =	vst v63  }
.LBB2_2:
0x28: {  	_ =	swait.ge [sflag:s18], $0x2000  }
0x29: {  	p0 =	seq.s32 s0, $0x0;
	[sflag:s18] =	ssyncset.done $0x0  }
0x2a: {  	s1 =	simm.s32 @!p0 $0x5;
	[sflag:s18] =	ssyncadd.s32 $0xFFFFE000  }
0x2b: {  	_ =	swait.ge @!p0 [sflag:s1], $0x2000  }
0x2c: {  	[sflag:s1] =	ssyncset.done @!p0 $0x0  }
0x2d: {  	s14 =	simm.s32 $0x1FF0;
	[sflag:s1] =	ssyncadd.s32 @!p0 $0xFFFFE000  }
0x2e: {  	v1 =	vld [tilespmem:s14+$0xFFFFFF00];
	_ =	sdelay $0x3  }
0x2f: {  	v2 =	vld [tilespmem:s14+$0xFFFFFF80]  }
0x30: {  	v3 =	vld [tilespmem:s14+$0x0];
	v1 =	vperm.xlane v1, v0  }
0x31: {  	s15 =	simm.s32 $0x8100;
	v4 =	vld [tilespmem:s14+$0xFFFFFE80]  }
0x32: {  	[tilespmem:s15+$0x80] =	vst v1  }
0x33: {  	v1 =	vld [tilespmem:s14+$0xFFFFFEF0]  }
0x34: {  	v2 =	vperm.xlane v2, v0  }
0x35: {  	v3 =	vperm.xlane v3, v0  }
0x36: {  	v4 =	vperm.xlane v4, v0;
	[tilespmem:s15+$0xFFFFFF00] =	vst v2  }
0x37: {  	[tilespmem:s15+$0xFFFFFF80] =	vst v3;
	v2 =	vld [tilespmem:s14+$0xFFFFFF70]  }
0x38: {  	[tilespmem:s15+$0x0] =	vst v4;
	v3 =	vld [tilespmem:s14+$0xFFFFFFF0];
	v1 =	vperm.xlane v1, v0  }
0x39: {  	v4 =	vld [tilespmem:s14+$0xFFFFFE70]  }
0x3a: {  	[tilespmem:s15+$0x90] =	vst v1  }
0x3b: {  	v1 =	vld [tilespmem:s14+$0xFFFFFEE0]  }
0x3c: {  	v2 =	vperm.xlane v2, v0  }
0x3d: {  	v3 =	vperm.xlane v3, v0  }
0x3e: {  	v4 =	vperm.xlane v4, v0;
	[tilespmem:s15+$0xFFFFFF10] =	vst v2  }
0x3f: {  	[tilespmem:s15+$0xFFFFFF90] =	vst v3;
	v2 =	vld [tilespmem:s14+$0xFFFFFF60]  }
0x40: {  	[tilespmem:s15+$0x10] =	vst v4;
	v3 =	vld [tilespmem:s14+$0xFFFFFFE0];
	v1 =	vperm.xlane v1, v0  }
0x41: {  	v4 =	vld [tilespmem:s14+$0xFFFFFE60]  }
0x42: {  	[tilespmem:s15+$0xA0] =	vst v1  }
0x43: {  	v1 =	vld [tilespmem:s14+$0xFFFFFED0]  }
0x44: {  	v2 =	vperm.xlane v2, v0  }
0x45: {  	v3 =	vperm.xlane v3, v0  }
0x46: {  	v4 =	vperm.xlane v4, v0;
	[tilespmem:s15+$0xFFFFFF20] =	vst v2  }
0x47: {  	[tilespmem:s15+$0xFFFFFFA0] =	vst v3;
	v2 =	vld [tilespmem:s14+$0xFFFFFF50]  }
0x48: {  	[tilespmem:s15+$0x20] =	vst v4;
	v3 =	vld [tilespmem:s14+$0xFFFFFFD0];
	v1 =	vperm.xlane v1, v0  }
0x49: {  	s16 =	simm.s32 $0x1DF0;
	v4 =	vld [tilespmem:s14+$0xFFFFFE50]  }
0x4a: {  	[tilespmem:s15+$0xB0] =	vst v1;
	v1 =	vld [tilespmem:s16+$0xFFFFFF00]  }
0x4b: {  	v5 =	vld [tilespmem:s14+$0xFFFFFEC0]  }
0x4c: {  	v6 =	vld [tilespmem:s16+$0x0];
	v2 =	vperm.xlane v2, v0  }
0x4d: {  	v7 =	vld [tilespmem:s16+$0xFFFFFE80];
	v3 =	vperm.xlane v3, v0  }
0x4e: {  	v4 =	vperm.xlane v4, v0;
	[tilespmem:s15+$0xFFFFFF30] =	vst v2;
	v2 =	vld [tilespmem:s16+$0xFFFFFF80]  }
0x4f: {  	[tilespmem:s15+$0xFFFFFFB0] =	vst v3;
	v3 =	vld [tilespmem:s14+$0xFFFFFF40];
	v1 =	vperm.xlane v1, v0  }
0x50: {  	s7 =	simm.s32 $0x8300;
	[tilespmem:s15+$0x30] =	vst v4;
	v4 =	vld [tilespmem:s14+$0xFFFFFFC0];
	v5 =	vperm.xlane v5, v0  }
0x51: {  	v6 =	vperm.xlane v6, v0;
	[tilespmem:s7+$0x80] =	vst v1;
	v1 =	vld [tilespmem:s14+$0xFFFFFE40]  }
0x52: {  	v7 =	vperm.xlane v7, v0;
	v8 =	vld [tilespmem:s16+$0xFFFFFEF0];
	[tilespmem:s15+$0xC0] =	vst v5  }
0x53: {  	[tilespmem:s7+$0xFFFFFF80] =	vst v6;
	v2 =	vperm.xlane v2, v0;
	v5 =	vld [tilespmem:s14+$0xFFFFFEB0]  }
0x54: {  	[tilespmem:s7+$0x0] =	vst v7;
	v6 =	vld [tilespmem:s16+$0xFFFFFFF0];
	v3 =	vperm.xlane v3, v0  }
0x55: {  	v4 =	vperm.xlane v4, v0;
	[tilespmem:s7+$0xFFFFFF00] =	vst v2;
	v2 =	vld [tilespmem:s16+$0xFFFFFE70]  }
0x56: {  	v7 =	vld [tilespmem:s16+$0xFFFFFF70];
	[tilespmem:s15+$0xFFFFFF40] =	vst v3;
	v1 =	vperm.xlane v1, v0  }
0x57: {  	[tilespmem:s15+$0xFFFFFFC0] =	vst v4;
	v3 =	vperm.xlane v8, v0;
	v8 =	vld [tilespmem:s14+$0xFFFFFF30]  }
0x58: {  	v4 =	vld [tilespmem:s14+$0xFFFFFFB0];
	[tilespmem:s15+$0x40] =	vst v1;
	v1 =	vperm.xlane v5, v0  }
0x59: {  	v5 =	vperm.xlane v6, v0;
	[tilespmem:s7+$0x90] =	vst v3;
	v3 =	vld [tilespmem:s14+$0xFFFFFE30]  }
0x5a: {  	v2 =	vperm.xlane v2, v0;
	v6 =	vld [tilespmem:s16+$0xFFFFFEE0];
	[tilespmem:s15+$0xD0] =	vst v1  }
0x5b: {  	v1 =	vperm.xlane v7, v0;
	[tilespmem:s7+$0xFFFFFF90] =	vst v5;
	v5 =	vld [tilespmem:s14+$0xFFFFFEA0]  }
0x5c: {  	[tilespmem:s7+$0x10] =	vst v2;
	v7 =	vld [tilespmem:s16+$0xFFFFFFE0];
	v2 =	vperm.xlane v8, v0  }
0x5d: {  	v4 =	vperm.xlane v4, v0;
	[tilespmem:s7+$0xFFFFFF10] =	vst v1;
	v1 =	vld [tilespmem:s16+$0xFFFFFE60]  }
0x5e: {  	v8 =	vld [tilespmem:s16+$0xFFFFFF60];
	[tilespmem:s15+$0xFFFFFF50] =	vst v2;
	v2 =	vperm.xlane v3, v0  }
0x5f: {  	[tilespmem:s15+$0xFFFFFFD0] =	vst v4;
	v3 =	vperm.xlane v6, v0;
	v6 =	vld [tilespmem:s14+$0xFFFFFF20]  }
0x60: {  	v4 =	vld [tilespmem:s14+$0xFFFFFFA0];
	[tilespmem:s15+$0x50] =	vst v2;
	v2 =	vperm.xlane v5, v0  }
0x61: {  	v5 =	vperm.xlane v7, v0;
	[tilespmem:s7+$0xA0] =	vst v3;
	v3 =	vld [tilespmem:s14+$0xFFFFFE20]  }
0x62: {  	v1 =	vperm.xlane v1, v0;
	v7 =	vld [tilespmem:s16+$0xFFFFFED0];
	[tilespmem:s15+$0xE0] =	vst v2  }
0x63: {  	v2 =	vperm.xlane v8, v0;
	[tilespmem:s7+$0xFFFFFFA0] =	vst v5;
	v8 =	vld [tilespmem:s14+$0xFFFFFE90]  }
0x64: {  	v9 =	vld [tilespmem:s16+$0xFFFFFFD0];
	[tilespmem:s7+$0x20] =	vst v1;
	v1 =	vperm.xlane v6, v0  }
0x65: {  	v4 =	vperm.xlane v4, v0;
	[tilespmem:s7+$0xFFFFFF20] =	vst v2;
	v5 =	vld [tilespmem:s16+$0xFFFFFE50]  }
0x66: {  	v6 =	vld [tilespmem:s16+$0xFFFFFF50];
	[tilespmem:s15+$0xFFFFFF60] =	vst v1;
	v3 =	vperm.xlane v3, v0  }
0x67: {  	[tilespmem:s15+$0xFFFFFFE0] =	vst v4;
	v10 =	vperm.xlane v7, v0;
	v2 =	vld [tilespmem:s14+$0xFFFFFF10]  }
0x68: {  	v1 =	vld [tilespmem:s14+$0xFFFFFF90];
	[tilespmem:s15+$0x60] =	vst v3;
	v4 =	vperm.xlane v8, v0  }
0x69: {  	s8 =	simm.s32 $0x4;
	s9 =	simm.s32 $0x1BF0;
	s1 =	sshll.u32 s0, $0x2;
	v7 =	vperm.xlane v9, v0;
	[tilespmem:s7+$0xB0] =	vst v10;
	v3 =	vld [tilespmem:s14+$0xFFFFFE10]  }
.LBB2_3:
0x6a: {  	v8 =	vld [tilespmem:s9+$0xFFFFFF00];
	v5 =	vperm.xlane v5, v0;
	[tilespmem:s15+$0xF0] =	vst v4  }
0x6b: {  	s8 =	sadd.s32 $0x4, s8;
	v4 =	vperm.xlane v6, v0;
	[tilespmem:s7+$0xFFFFFFB0] =	vst v7;
	v6 =	vld [tilespmem:s16+$0xFFFFFEC0]  }
0x6c: {  	p1 =	slt.u32 s8, $0x3C;
	v7 =	vld [tilespmem:s9+$0x0];
	[tilespmem:s7+$0x30] =	vst v5;
	v2 =	vperm.xlane v2, v0  }
0x6d: {  	v5 =	vld [tilespmem:s9+$0xFFFFFE80];
	[tilespmem:s7+$0xFFFFFF30] =	vst v4;
	v1 =	vperm.xlane v1, v0  }
0x6e: {  	v4 =	vld [tilespmem:s9+$0xFFFFFF80];
	[tilespmem:s15+$0xFFFFFF70] =	vst v2;
	v2 =	vperm.xlane v3, v0  }
0x6f: {  	v3 =	vperm.xlane v8, v0;
	v8 =	vld [tilespmem:s16+$0xFFFFFF40];
	[tilespmem:s15+$0xFFFFFFF0] =	vst v1  }
0x70: {  	v1 =	vld [tilespmem:s16+$0xFFFFFFC0];
	v6 =	vperm.xlane v6, v0;
	[tilespmem:s15+$0x70] =	vst v2;
	s15 =	smov.u32 s7;
	s7 =	sadd.s32 $0x200, s7  }
0x71: {  	v2 =	vperm.xlane v7, v0;
	[tilespmem:s7+$0x80] =	vst v3;
	v3 =	vld [tilespmem:s16+$0xFFFFFE40]  }
0x72: {  	v5 =	vperm.xlane v5, v0;
	v7 =	vld [tilespmem:s9+$0xFFFFFEF0];
	[tilespmem:s15+$0xC0] =	vst v6  }
0x73: {  	v4 =	vperm.xlane v4, v0;
	[tilespmem:s7+$0xFFFFFF80] =	vst v2;
	v2 =	vld [tilespmem:s16+$0xFFFFFEB0]  }
0x74: {  	v6 =	vld [tilespmem:s9+$0xFFFFFFF0];
	[tilespmem:s7+$0x0] =	vst v5;
	v5 =	vperm.xlane v8, v0  }
0x75: {  	[tilespmem:s7+$0xFFFFFF00] =	vst v4;
	v4 =	vld [tilespmem:s9+$0xFFFFFE70];
	v1 =	vperm.xlane v1, v0  }
0x76: {  	v8 =	vld [tilespmem:s9+$0xFFFFFF70];
	[tilespmem:s15+$0xFFFFFF40] =	vst v5;
	v3 =	vperm.xlane v3, v0  }
0x77: {  	v5 =	vperm.xlane v7, v0;
	v7 =	vld [tilespmem:s16+$0xFFFFFF30];
	[tilespmem:s15+$0xFFFFFFC0] =	vst v1  }
0x78: {  	v1 =	vld [tilespmem:s16+$0xFFFFFFB0];
	[tilespmem:s15+$0x40] =	vst v3;
	v2 =	vperm.xlane v2, v0  }
0x79: {  	v3 =	vperm.xlane v6, v0;
	[tilespmem:s7+$0x90] =	vst v5;
	v5 =	vld [tilespmem:s16+$0xFFFFFE30]  }
0x7a: {  	v4 =	vperm.xlane v4, v0;
	v6 =	vld [tilespmem:s9+$0xFFFFFEE0];
	[tilespmem:s15+$0xD0] =	vst v2  }
0x7b: {  	v2 =	vperm.xlane v8, v0;
	[tilespmem:s7+$0xFFFFFF90] =	vst v3;
	v3 =	vld [tilespmem:s16+$0xFFFFFEA0]  }
0x7c: {  	v8 =	vld [tilespmem:s9+$0xFFFFFFE0];
	[tilespmem:s7+$0x10] =	vst v4;
	v4 =	vperm.xlane v7, v0  }
0x7d: {  	[tilespmem:s7+$0xFFFFFF10] =	vst v2;
	v2 =	vld [tilespmem:s9+$0xFFFFFE60];
	v1 =	vperm.xlane v1, v0  }
0x7e: {  	v7 =	vld [tilespmem:s9+$0xFFFFFF60];
	[tilespmem:s15+$0xFFFFFF50] =	vst v4;
	v4 =	vperm.xlane v5, v0  }
0x7f: {  	v5 =	vperm.xlane v6, v0;
	v6 =	vld [tilespmem:s16+$0xFFFFFF20];
	[tilespmem:s15+$0xFFFFFFD0] =	vst v1  }
0x80: {  	v1 =	vld [tilespmem:s16+$0xFFFFFFA0];
	[tilespmem:s15+$0x50] =	vst v4;
	v3 =	vperm.xlane v3, v0  }
0x81: {  	v4 =	vperm.xlane v8, v0;
	[tilespmem:s7+$0xA0] =	vst v5;
	v8 =	vld [tilespmem:s16+$0xFFFFFE20]  }
0x82: {  	v2 =	vperm.xlane v2, v0;
	v9 =	vld [tilespmem:s9+$0xFFFFFED0];
	[tilespmem:s15+$0xE0] =	vst v3  }
0x83: {  	v3 =	vperm.xlane v7, v0;
	[tilespmem:s7+$0xFFFFFFA0] =	vst v4;
	v4 =	vld [tilespmem:s16+$0xFFFFFE90]  }
0x84: {  	v7 =	vld [tilespmem:s9+$0xFFFFFFD0];
	[tilespmem:s7+$0x20] =	vst v2;
	v2 =	vperm.xlane v6, v0  }
.Ltmp2:
0x85: {  	[tilespmem:s7+$0xFFFFFF20] =	vst v3;
	v5 =	vld [tilespmem:s9+$0xFFFFFE50];
	v1 =	vperm.xlane v1, v0;
	(pc) =	sbr.rel @p1 .LBB2_3-.Ltmp2, $4  }
0x86: {  	v6 =	vld [tilespmem:s9+$0xFFFFFF50];
	[tilespmem:s15+$0xFFFFFF60] =	vst v2;
	v3 =	vperm.xlane v8, v0  }
0x87: {  	v8 =	vperm.xlane v9, v0;
	v2 =	vld [tilespmem:s16+$0xFFFFFF10];
	[tilespmem:s15+$0xFFFFFFE0] =	vst v1  }
0x88: {  	v1 =	vld [tilespmem:s16+$0xFFFFFF90];
	[tilespmem:s15+$0x60] =	vst v3;
	v4 =	vperm.xlane v4, v0  }
0x89: {  	v7 =	vperm.xlane v7, v0;
	[tilespmem:s7+$0xB0] =	vst v8;
	v3 =	vld [tilespmem:s16+$0xFFFFFE10];
	s16 =	smov.u32 s9;
	s9 =	sadd.s32 $0xFFFFFE00, s9  }
0x8a: {  	_ = 	snop  }
0x8b: {  	v6 =	vperm.xlane v6, v0;
	_ =	sdelay $0x1  }
0x8c: {  	v5 =	vperm.xlane v5, v0;
	v8 =	vld [tilespmem:s16+$0xFFFFFEC0];
	[tilespmem:s7+$0xFFFFFF30] =	vst v6  }
0x8d: {  	[tilespmem:s7+$0xFFFFFFB0] =	vst v7;
	v6 =	vld [tilespmem:s16+$0xFFFFFF40]  }
0x8e: {  	[tilespmem:s7+$0x30] =	vst v5;
	v5 =	vld [tilespmem:s16+$0xFFFFFFC0]  }
0x8f: {  	v7 =	vld [tilespmem:s16+$0xFFFFFE40];
	_ =	sdelay $0x1  }
0x90: {  	v8 =	vperm.xlane v8, v0  }
0x91: {  	v6 =	vperm.xlane v6, v0  }
0x92: {  	[tilespmem:s7+$0xC0] =	vst v8;
	v5 =	vperm.xlane v5, v0  }
0x93: {  	v8 =	vld [tilespmem:s16+$0xFFFFFEB0];
	[tilespmem:s7+$0xFFFFFF40] =	vst v6;
	v6 =	vperm.xlane v7, v0  }
0x94: {  	[tilespmem:s7+$0xFFFFFFC0] =	vst v5;
	v7 =	vld [tilespmem:s16+$0xFFFFFF30]  }
0x95: {  	v5 =	vld [tilespmem:s16+$0xFFFFFFB0];
	[tilespmem:s7+$0x40] =	vst v6  }
0x96: {  	v6 =	vld [tilespmem:s16+$0xFFFFFE30];
	_ =	sdelay $0x1  }
0x97: {  	v8 =	vperm.xlane v8, v0  }
0x98: {  	v7 =	vperm.xlane v7, v0  }
0x99: {  	[tilespmem:s7+$0xD0] =	vst v8;
	v5 =	vperm.xlane v5, v0  }
0x9a: {  	v8 =	vld [tilespmem:s16+$0xFFFFFEA0];
	[tilespmem:s7+$0xFFFFFF50] =	vst v7;
	v6 =	vperm.xlane v6, v0  }
0x9b: {  	[tilespmem:s7+$0xFFFFFFD0] =	vst v5;
	v7 =	vld [tilespmem:s16+$0xFFFFFF20]  }
0x9c: {  	v5 =	vld [tilespmem:s16+$0xFFFFFFA0];
	[tilespmem:s7+$0x50] =	vst v6  }
0x9d: {  	v6 =	vld [tilespmem:s16+$0xFFFFFE20];
	_ =	sdelay $0x1  }
0x9e: {  	v8 =	vperm.xlane v8, v0  }
0x9f: {  	v7 =	vperm.xlane v7, v0  }
0xa0: {  	[tilespmem:s7+$0xE0] =	vst v8;
	v5 =	vperm.xlane v5, v0  }
0xa1: {  	v8 =	vld [tilespmem:s16+$0xFFFFFE90];
	[tilespmem:s7+$0xFFFFFF60] =	vst v7;
	v6 =	vperm.xlane v6, v0  }
0xa2: {  	[tilespmem:s7+$0xFFFFFFE0] =	vst v5;
	v7 =	vld [tilespmem:s16+$0xFFFFFF10]  }
0xa3: {  	v2 =	vperm.xlane v2, v0;
	v5 =	vld [tilespmem:s16+$0xFFFFFF90];
	[tilespmem:s7+$0x60] =	vst v6  }
0xa4: {  	[tilespmem:s15+$0xF0] =	vst v4;
	v1 =	vperm.xlane v1, v0;
	v4 =	vld [tilespmem:s16+$0xFFFFFE10]  }
0xa5: {  	[tilespmem:s15+$0xFFFFFF70] =	vst v2;
	v2 =	vperm.xlane v3, v0  }
0xa6: {  	[tilespmem:s15+$0xFFFFFFF0] =	vst v1;
	v1 =	vperm.xlane v8, v0  }
0xa7: {  	[tilespmem:s15+$0x70] =	vst v2;
	v2 =	vperm.xlane v7, v0  }
0xa8: {  	[tilespmem:s7+$0xF0] =	vst v1;
	v1 =	vperm.xlane v5, v0  }
0xa9: {  	s6 =	sadd.s32 s5, s1;
	[tilespmem:s7+$0xFFFFFF70] =	vst v2;
	v2 =	vperm.xlane v4, v0  }
0xaa: {  	s6 =	sshll.u32 s6, $0xA;
	[tilespmem:s7+$0xFFFFFFF0] =	vst v1  }
0xab: {  	p1 =	seq.s32 s0, $0x1F;
	s6 =	sadd.s32 s3, s6;
	[tilespmem:s7+$0x70] =	vst v2  }
0xac: {  	[hbm4b:s6+s4] =	stream.linear.scatter [tilespmem:s19], [sflag:$0x5], $0x2000, $0x38;
	[tilespmem:$0x10000] =	vst v63  }
0xad: {  	s6 =	sadd.s32 @!p1 s1, s10  }
0xae: {  	s6 =	sshll.u32 @!p1 s6, $0xA  }
0xaf: {  	s7 =	simm.s32 @!p1 $0x0;
	s6 =	sadd.s32 @!p1 s2, s6  }
0xb0: {  	[tilespmem:s7], [sflag:$0x1] =	stream.linear.gather @!p1 [hbm4b:s6+s7], $0x2000, $0x38;
	[tilespmem:$0x10000] =	vst v63  }
0xb1: {  	_ =	swait.ge [sflag:s20], $0x2000  }
0xb2: {  	[sflag:s20] =	ssyncset.done $0x0  }
0xb3: {  	s6 =	simm.s32 @!p0 $0x6;
	[sflag:s20] =	ssyncadd.s32 $0xFFFFE000  }
0xb4: {  	_ =	swait.ge @!p0 [sflag:s6], $0x2000  }
0xb5: {  	[sflag:s6] =	ssyncset.done @!p0 $0x0  }
0xb6: {  	[sflag:s6] =	ssyncadd.s32 @!p0 $0xFFFFE000;
	s6 =	simm.s32 $0x3FF0  }
0xb7: {  	v1 =	vld [tilespmem:s6+$0xFFFFFF00];
	_ =	sdelay $0x3  }
0xb8: {  	v2 =	vld [tilespmem:s6+$0xFFFFFF80]  }
0xb9: {  	v3 =	vld [tilespmem:s6+$0x0];
	v1 =	vperm.xlane v1, v0  }
0xba: {  	s15 =	simm.s32 $0xA100;
	v4 =	vld [tilespmem:s6+$0xFFFFFE80]  }
0xbb: {  	[tilespmem:s15+$0x80] =	vst v1  }
0xbc: {  	v1 =	vld [tilespmem:s6+$0xFFFFFEF0]  }
0xbd: {  	v2 =	vperm.xlane v2, v0  }
0xbe: {  	v3 =	vperm.xlane v3, v0  }
0xbf: {  	v4 =	vperm.xlane v4, v0;
	[tilespmem:s15+$0xFFFFFF00] =	vst v2  }
0xc0: {  	[tilespmem:s15+$0xFFFFFF80] =	vst v3;
	v2 =	vld [tilespmem:s6+$0xFFFFFF70]  }
0xc1: {  	[tilespmem:s15+$0x0] =	vst v4;
	v3 =	vld [tilespmem:s6+$0xFFFFFFF0];
	v1 =	vperm.xlane v1, v0  }
0xc2: {  	v4 =	vld [tilespmem:s6+$0xFFFFFE70]  }
0xc3: {  	[tilespmem:s15+$0x90] =	vst v1  }
0xc4: {  	v1 =	vld [tilespmem:s6+$0xFFFFFEE0]  }
0xc5: {  	v2 =	vperm.xlane v2, v0  }
0xc6: {  	v3 =	vperm.xlane v3, v0  }
0xc7: {  	v4 =	vperm.xlane v4, v0;
	[tilespmem:s15+$0xFFFFFF10] =	vst v2  }
0xc8: {  	[tilespmem:s15+$0xFFFFFF90] =	vst v3;
	v2 =	vld [tilespmem:s6+$0xFFFFFF60]  }
0xc9: {  	[tilespmem:s15+$0x10] =	vst v4;
	v3 =	vld [tilespmem:s6+$0xFFFFFFE0];
	v1 =	vperm.xlane v1, v0  }
0xca: {  	v4 =	vld [tilespmem:s6+$0xFFFFFE60]  }
0xcb: {  	[tilespmem:s15+$0xA0] =	vst v1  }
0xcc: {  	v1 =	vld [tilespmem:s6+$0xFFFFFED0]  }
0xcd: {  	v2 =	vperm.xlane v2, v0  }
0xce: {  	v3 =	vperm.xlane v3, v0  }
0xcf: {  	v4 =	vperm.xlane v4, v0;
	[tilespmem:s15+$0xFFFFFF20] =	vst v2  }
0xd0: {  	[tilespmem:s15+$0xFFFFFFA0] =	vst v3;
	v2 =	vld [tilespmem:s6+$0xFFFFFF50]  }
0xd1: {  	[tilespmem:s15+$0x20] =	vst v4;
	v3 =	vld [tilespmem:s6+$0xFFFFFFD0];
	v1 =	vperm.xlane v1, v0  }
0xd2: {  	s16 =	simm.s32 $0x3DF0;
	v4 =	vld [tilespmem:s6+$0xFFFFFE50]  }
0xd3: {  	[tilespmem:s15+$0xB0] =	vst v1;
	v1 =	vld [tilespmem:s16+$0xFFFFFF00]  }
0xd4: {  	v5 =	vld [tilespmem:s6+$0xFFFFFEC0]  }
0xd5: {  	v6 =	vld [tilespmem:s16+$0x0];
	v2 =	vperm.xlane v2, v0  }
0xd6: {  	v7 =	vld [tilespmem:s16+$0xFFFFFE80];
	v3 =	vperm.xlane v3, v0  }
0xd7: {  	v4 =	vperm.xlane v4, v0;
	[tilespmem:s15+$0xFFFFFF30] =	vst v2;
	v2 =	vld [tilespmem:s16+$0xFFFFFF80]  }
0xd8: {  	[tilespmem:s15+$0xFFFFFFB0] =	vst v3;
	v3 =	vld [tilespmem:s6+$0xFFFFFF40];
	v1 =	vperm.xlane v1, v0  }
0xd9: {  	s7 =	simm.s32 $0xA300;
	[tilespmem:s15+$0x30] =	vst v4;
	v4 =	vld [tilespmem:s6+$0xFFFFFFC0];
	v5 =	vperm.xlane v5, v0  }
0xda: {  	v6 =	vperm.xlane v6, v0;
	[tilespmem:s7+$0x80] =	vst v1;
	v1 =	vld [tilespmem:s6+$0xFFFFFE40]  }
0xdb: {  	v7 =	vperm.xlane v7, v0;
	v8 =	vld [tilespmem:s16+$0xFFFFFEF0];
	[tilespmem:s15+$0xC0] =	vst v5  }
0xdc: {  	[tilespmem:s7+$0xFFFFFF80] =	vst v6;
	v2 =	vperm.xlane v2, v0;
	v5 =	vld [tilespmem:s6+$0xFFFFFEB0]  }
0xdd: {  	[tilespmem:s7+$0x0] =	vst v7;
	v6 =	vld [tilespmem:s16+$0xFFFFFFF0];
	v3 =	vperm.xlane v3, v0  }
0xde: {  	v4 =	vperm.xlane v4, v0;
	[tilespmem:s7+$0xFFFFFF00] =	vst v2;
	v2 =	vld [tilespmem:s16+$0xFFFFFE70]  }
0xdf: {  	v7 =	vld [tilespmem:s16+$0xFFFFFF70];
	[tilespmem:s15+$0xFFFFFF40] =	vst v3;
	v1 =	vperm.xlane v1, v0  }
0xe0: {  	[tilespmem:s15+$0xFFFFFFC0] =	vst v4;
	v3 =	vperm.xlane v8, v0;
	v8 =	vld [tilespmem:s6+$0xFFFFFF30]  }
0xe1: {  	v4 =	vld [tilespmem:s6+$0xFFFFFFB0];
	[tilespmem:s15+$0x40] =	vst v1;
	v1 =	vperm.xlane v5, v0  }
0xe2: {  	v5 =	vperm.xlane v6, v0;
	[tilespmem:s7+$0x90] =	vst v3;
	v3 =	vld [tilespmem:s6+$0xFFFFFE30]  }
0xe3: {  	v2 =	vperm.xlane v2, v0;
	v6 =	vld [tilespmem:s16+$0xFFFFFEE0];
	[tilespmem:s15+$0xD0] =	vst v1  }
0xe4: {  	v1 =	vperm.xlane v7, v0;
	[tilespmem:s7+$0xFFFFFF90] =	vst v5;
	v5 =	vld [tilespmem:s6+$0xFFFFFEA0]  }
0xe5: {  	[tilespmem:s7+$0x10] =	vst v2;
	v7 =	vld [tilespmem:s16+$0xFFFFFFE0];
	v2 =	vperm.xlane v8, v0  }
0xe6: {  	v4 =	vperm.xlane v4, v0;
	[tilespmem:s7+$0xFFFFFF10] =	vst v1;
	v1 =	vld [tilespmem:s16+$0xFFFFFE60]  }
0xe7: {  	v8 =	vld [tilespmem:s16+$0xFFFFFF60];
	[tilespmem:s15+$0xFFFFFF50] =	vst v2;
	v2 =	vperm.xlane v3, v0  }
0xe8: {  	[tilespmem:s15+$0xFFFFFFD0] =	vst v4;
	v3 =	vperm.xlane v6, v0;
	v6 =	vld [tilespmem:s6+$0xFFFFFF20]  }
0xe9: {  	v4 =	vld [tilespmem:s6+$0xFFFFFFA0];
	[tilespmem:s15+$0x50] =	vst v2;
	v2 =	vperm.xlane v5, v0  }
0xea: {  	v5 =	vperm.xlane v7, v0;
	[tilespmem:s7+$0xA0] =	vst v3;
	v3 =	vld [tilespmem:s6+$0xFFFFFE20]  }
0xeb: {  	v1 =	vperm.xlane v1, v0;
	v7 =	vld [tilespmem:s16+$0xFFFFFED0];
	[tilespmem:s15+$0xE0] =	vst v2  }
0xec: {  	v2 =	vperm.xlane v8, v0;
	[tilespmem:s7+$0xFFFFFFA0] =	vst v5;
	v8 =	vld [tilespmem:s6+$0xFFFFFE90]  }
0xed: {  	v9 =	vld [tilespmem:s16+$0xFFFFFFD0];
	[tilespmem:s7+$0x20] =	vst v1;
	v1 =	vperm.xlane v6, v0  }
0xee: {  	v4 =	vperm.xlane v4, v0;
	[tilespmem:s7+$0xFFFFFF20] =	vst v2;
	v5 =	vld [tilespmem:s16+$0xFFFFFE50]  }
0xef: {  	v6 =	vld [tilespmem:s16+$0xFFFFFF50];
	[tilespmem:s15+$0xFFFFFF60] =	vst v1;
	v3 =	vperm.xlane v3, v0  }
0xf0: {  	[tilespmem:s15+$0xFFFFFFE0] =	vst v4;
	v10 =	vperm.xlane v7, v0;
	v2 =	vld [tilespmem:s6+$0xFFFFFF10]  }
0xf1: {  	v1 =	vld [tilespmem:s6+$0xFFFFFF90];
	[tilespmem:s15+$0x60] =	vst v3;
	v4 =	vperm.xlane v8, v0  }
0xf2: {  	s8 =	sor.u32 $0x1, s1;
	s9 =	simm.s32 $0x4;
	s14 =	simm.s32 $0x3BF0;
	v7 =	vperm.xlane v9, v0;
	[tilespmem:s7+$0xB0] =	vst v10;
	v3 =	vld [tilespmem:s6+$0xFFFFFE10]  }
.LBB2_5:
0xf3: {  	v8 =	vld [tilespmem:s14+$0xFFFFFF00];
	v5 =	vperm.xlane v5, v0;
	[tilespmem:s15+$0xF0] =	vst v4  }
0xf4: {  	s9 =	sadd.s32 $0x4, s9;
	v4 =	vperm.xlane v6, v0;
	[tilespmem:s7+$0xFFFFFFB0] =	vst v7;
	v6 =	vld [tilespmem:s16+$0xFFFFFEC0]  }
0xf5: {  	p2 =	slt.u32 s9, $0x3C;
	v7 =	vld [tilespmem:s14+$0x0];
	[tilespmem:s7+$0x30] =	vst v5;
	v2 =	vperm.xlane v2, v0  }
0xf6: {  	v5 =	vld [tilespmem:s14+$0xFFFFFE80];
	[tilespmem:s7+$0xFFFFFF30] =	vst v4;
	v1 =	vperm.xlane v1, v0  }
0xf7: {  	v4 =	vld [tilespmem:s14+$0xFFFFFF80];
	[tilespmem:s15+$0xFFFFFF70] =	vst v2;
	v2 =	vperm.xlane v3, v0  }
0xf8: {  	v3 =	vperm.xlane v8, v0;
	v8 =	vld [tilespmem:s16+$0xFFFFFF40];
	[tilespmem:s15+$0xFFFFFFF0] =	vst v1  }
0xf9: {  	v1 =	vld [tilespmem:s16+$0xFFFFFFC0];
	v6 =	vperm.xlane v6, v0;
	[tilespmem:s15+$0x70] =	vst v2;
	s15 =	smov.u32 s7;
	s7 =	sadd.s32 $0x200, s7  }
0xfa: {  	v2 =	vperm.xlane v7, v0;
	[tilespmem:s7+$0x80] =	vst v3;
	v3 =	vld [tilespmem:s16+$0xFFFFFE40]  }
0xfb: {  	v5 =	vperm.xlane v5, v0;
	v7 =	vld [tilespmem:s14+$0xFFFFFEF0];
	[tilespmem:s15+$0xC0] =	vst v6  }
0xfc: {  	v4 =	vperm.xlane v4, v0;
	[tilespmem:s7+$0xFFFFFF80] =	vst v2;
	v2 =	vld [tilespmem:s16+$0xFFFFFEB0]  }
0xfd: {  	v6 =	vld [tilespmem:s14+$0xFFFFFFF0];
	[tilespmem:s7+$0x0] =	vst v5;
	v5 =	vperm.xlane v8, v0  }
0xfe: {  	[tilespmem:s7+$0xFFFFFF00] =	vst v4;
	v4 =	vld [tilespmem:s14+$0xFFFFFE70];
	v1 =	vperm.xlane v1, v0  }
0xff: {  	v8 =	vld [tilespmem:s14+$0xFFFFFF70];
	[tilespmem:s15+$0xFFFFFF40] =	vst v5;
	v3 =	vperm.xlane v3, v0  }
0x100: {  	v5 =	vperm.xlane v7, v0;
	v7 =	vld [tilespmem:s16+$0xFFFFFF30];
	[tilespmem:s15+$0xFFFFFFC0] =	vst v1  }
0x101: {  	v1 =	vld [tilespmem:s16+$0xFFFFFFB0];
	[tilespmem:s15+$0x40] =	vst v3;
	v2 =	vperm.xlane v2, v0  }
0x102: {  	v3 =	vperm.xlane v6, v0;
	[tilespmem:s7+$0x90] =	vst v5;
	v5 =	vld [tilespmem:s16+$0xFFFFFE30]  }
0x103: {  	v4 =	vperm.xlane v4, v0;
	v6 =	vld [tilespmem:s14+$0xFFFFFEE0];
	[tilespmem:s15+$0xD0] =	vst v2  }
0x104: {  	v2 =	vperm.xlane v8, v0;
	[tilespmem:s7+$0xFFFFFF90] =	vst v3;
	v3 =	vld [tilespmem:s16+$0xFFFFFEA0]  }
0x105: {  	v8 =	vld [tilespmem:s14+$0xFFFFFFE0];
	[tilespmem:s7+$0x10] =	vst v4;
	v4 =	vperm.xlane v7, v0  }
0x106: {  	[tilespmem:s7+$0xFFFFFF10] =	vst v2;
	v2 =	vld [tilespmem:s14+$0xFFFFFE60];
	v1 =	vperm.xlane v1, v0  }
0x107: {  	v7 =	vld [tilespmem:s14+$0xFFFFFF60];
	[tilespmem:s15+$0xFFFFFF50] =	vst v4;
	v4 =	vperm.xlane v5, v0  }
0x108: {  	v5 =	vperm.xlane v6, v0;
	v6 =	vld [tilespmem:s16+$0xFFFFFF20];
	[tilespmem:s15+$0xFFFFFFD0] =	vst v1  }
0x109: {  	v1 =	vld [tilespmem:s16+$0xFFFFFFA0];
	[tilespmem:s15+$0x50] =	vst v4;
	v3 =	vperm.xlane v3, v0  }
0x10a: {  	v4 =	vperm.xlane v8, v0;
	[tilespmem:s7+$0xA0] =	vst v5;
	v8 =	vld [tilespmem:s16+$0xFFFFFE20]  }
0x10b: {  	v2 =	vperm.xlane v2, v0;
	v9 =	vld [tilespmem:s14+$0xFFFFFED0];
	[tilespmem:s15+$0xE0] =	vst v3  }
0x10c: {  	v3 =	vperm.xlane v7, v0;
	[tilespmem:s7+$0xFFFFFFA0] =	vst v4;
	v4 =	vld [tilespmem:s16+$0xFFFFFE90]  }
0x10d: {  	v7 =	vld [tilespmem:s14+$0xFFFFFFD0];
	[tilespmem:s7+$0x20] =	vst v2;
	v2 =	vperm.xlane v6, v0  }
.Ltmp3:
0x10e: {  	[tilespmem:s7+$0xFFFFFF20] =	vst v3;
	v5 =	vld [tilespmem:s14+$0xFFFFFE50];
	v1 =	vperm.xlane v1, v0;
	(pc) =	sbr.rel @p2 .LBB2_5-.Ltmp3, $4  }
0x10f: {  	v6 =	vld [tilespmem:s14+$0xFFFFFF50];
	[tilespmem:s15+$0xFFFFFF60] =	vst v2;
	v3 =	vperm.xlane v8, v0  }
0x110: {  	v8 =	vperm.xlane v9, v0;
	v2 =	vld [tilespmem:s16+$0xFFFFFF10];
	[tilespmem:s15+$0xFFFFFFE0] =	vst v1  }
0x111: {  	v1 =	vld [tilespmem:s16+$0xFFFFFF90];
	[tilespmem:s15+$0x60] =	vst v3;
	v4 =	vperm.xlane v4, v0  }
0x112: {  	v7 =	vperm.xlane v7, v0;
	[tilespmem:s7+$0xB0] =	vst v8;
	v3 =	vld [tilespmem:s16+$0xFFFFFE10];
	s16 =	smov.u32 s14;
	s14 =	sadd.s32 $0xFFFFFE00, s14  }
0x113: {  	_ = 	snop  }
0x114: {  	v6 =	vperm.xlane v6, v0;
	_ =	sdelay $0x1  }
0x115: {  	v5 =	vperm.xlane v5, v0;
	v8 =	vld [tilespmem:s16+$0xFFFFFEC0];
	[tilespmem:s7+$0xFFFFFF30] =	vst v6  }
0x116: {  	[tilespmem:s7+$0xFFFFFFB0] =	vst v7;
	v6 =	vld [tilespmem:s16+$0xFFFFFF40]  }
0x117: {  	[tilespmem:s7+$0x30] =	vst v5;
	v5 =	vld [tilespmem:s16+$0xFFFFFFC0]  }
0x118: {  	v7 =	vld [tilespmem:s16+$0xFFFFFE40];
	_ =	sdelay $0x1  }
0x119: {  	v8 =	vperm.xlane v8, v0  }
0x11a: {  	v6 =	vperm.xlane v6, v0  }
0x11b: {  	[tilespmem:s7+$0xC0] =	vst v8;
	v5 =	vperm.xlane v5, v0  }
0x11c: {  	v8 =	vld [tilespmem:s16+$0xFFFFFEB0];
	[tilespmem:s7+$0xFFFFFF40] =	vst v6;
	v6 =	vperm.xlane v7, v0  }
0x11d: {  	[tilespmem:s7+$0xFFFFFFC0] =	vst v5;
	v7 =	vld [tilespmem:s16+$0xFFFFFF30]  }
0x11e: {  	v5 =	vld [tilespmem:s16+$0xFFFFFFB0];
	[tilespmem:s7+$0x40] =	vst v6  }
0x11f: {  	v6 =	vld [tilespmem:s16+$0xFFFFFE30];
	_ =	sdelay $0x1  }
0x120: {  	v8 =	vperm.xlane v8, v0  }
0x121: {  	v7 =	vperm.xlane v7, v0  }
0x122: {  	[tilespmem:s7+$0xD0] =	vst v8;
	v5 =	vperm.xlane v5, v0  }
0x123: {  	v8 =	vld [tilespmem:s16+$0xFFFFFEA0];
	[tilespmem:s7+$0xFFFFFF50] =	vst v7;
	v6 =	vperm.xlane v6, v0  }
0x124: {  	[tilespmem:s7+$0xFFFFFFD0] =	vst v5;
	v7 =	vld [tilespmem:s16+$0xFFFFFF20]  }
0x125: {  	v5 =	vld [tilespmem:s16+$0xFFFFFFA0];
	[tilespmem:s7+$0x50] =	vst v6  }
0x126: {  	v6 =	vld [tilespmem:s16+$0xFFFFFE20];
	_ =	sdelay $0x1  }
0x127: {  	v8 =	vperm.xlane v8, v0  }
0x128: {  	v7 =	vperm.xlane v7, v0  }
0x129: {  	[tilespmem:s7+$0xE0] =	vst v8;
	v5 =	vperm.xlane v5, v0  }
0x12a: {  	v8 =	vld [tilespmem:s16+$0xFFFFFE90];
	[tilespmem:s7+$0xFFFFFF60] =	vst v7;
	v6 =	vperm.xlane v6, v0  }
0x12b: {  	[tilespmem:s7+$0xFFFFFFE0] =	vst v5;
	v7 =	vld [tilespmem:s16+$0xFFFFFF10]  }
0x12c: {  	v2 =	vperm.xlane v2, v0;
	v5 =	vld [tilespmem:s16+$0xFFFFFF90];
	[tilespmem:s7+$0x60] =	vst v6  }
0x12d: {  	[tilespmem:s15+$0xF0] =	vst v4;
	v1 =	vperm.xlane v1, v0;
	v4 =	vld [tilespmem:s16+$0xFFFFFE10]  }
0x12e: {  	[tilespmem:s15+$0xFFFFFF70] =	vst v2;
	v2 =	vperm.xlane v3, v0  }
0x12f: {  	[tilespmem:s15+$0xFFFFFFF0] =	vst v1;
	v1 =	vperm.xlane v8, v0  }
0x130: {  	[tilespmem:s15+$0x70] =	vst v2;
	v2 =	vperm.xlane v7, v0  }
0x131: {  	[tilespmem:s7+$0xF0] =	vst v1;
	v1 =	vperm.xlane v5, v0  }
0x132: {  	s6 =	sadd.s32 s5, s8;
	[tilespmem:s7+$0xFFFFFF70] =	vst v2;
	v2 =	vperm.xlane v4, v0  }
0x133: {  	s6 =	sshll.u32 s6, $0xA;
	[tilespmem:s7+$0xFFFFFFF0] =	vst v1  }
0x134: {  	s6 =	sadd.s32 s3, s6;
	[tilespmem:s7+$0x70] =	vst v2  }
0x135: {  	[hbm4b:s6+s4] =	stream.linear.scatter [tilespmem:s21], [sflag:$0x6], $0x2000, $0x38;
	[tilespmem:$0x10000] =	vst v63  }
0x136: {  	s6 =	sadd.s32 @!p1 s1, s11  }
0x137: {  	s6 =	sshll.u32 @!p1 s6, $0xA  }
0x138: {  	s8 =	simm.s32 @!p1 $0x2000;
	s7 =	simm.s32 @!p1 $0x0;
	s6 =	sadd.s32 @!p1 s2, s6  }
0x139: {  	[tilespmem:s8], [sflag:$0x2] =	stream.linear.gather @!p1 [hbm4b:s6+s7], $0x2000, $0x38;
	[tilespmem:$0x10000] =	vst v63  }
0x13a: {  	_ =	swait.ge [sflag:s22], $0x2000  }
0x13b: {  	[sflag:s22] =	ssyncset.done $0x0  }
0x13c: {  	s6 =	simm.s32 @!p0 $0x7;
	[sflag:s22] =	ssyncadd.s32 $0xFFFFE000  }
0x13d: {  	_ =	swait.ge @!p0 [sflag:s6], $0x2000  }
0x13e: {  	[sflag:s6] =	ssyncset.done @!p0 $0x0  }
0x13f: {  	[sflag:s6] =	ssyncadd.s32 @!p0 $0xFFFFE000;
	s6 =	simm.s32 $0x5FF0  }
0x140: {  	v1 =	vld [tilespmem:s6+$0xFFFFFF00];
	_ =	sdelay $0x3  }
0x141: {  	v2 =	vld [tilespmem:s6+$0xFFFFFF80]  }
0x142: {  	v3 =	vld [tilespmem:s6+$0x0];
	v1 =	vperm.xlane v1, v0  }
0x143: {  	s15 =	simm.s32 $0xC100;
	v4 =	vld [tilespmem:s6+$0xFFFFFE80]  }
0x144: {  	[tilespmem:s15+$0x80] =	vst v1  }
0x145: {  	v1 =	vld [tilespmem:s6+$0xFFFFFEF0]  }
0x146: {  	v2 =	vperm.xlane v2, v0  }
0x147: {  	v3 =	vperm.xlane v3, v0  }
0x148: {  	v4 =	vperm.xlane v4, v0;
	[tilespmem:s15+$0xFFFFFF00] =	vst v2  }
0x149: {  	[tilespmem:s15+$0xFFFFFF80] =	vst v3;
	v2 =	vld [tilespmem:s6+$0xFFFFFF70]  }
0x14a: {  	[tilespmem:s15+$0x0] =	vst v4;
	v3 =	vld [tilespmem:s6+$0xFFFFFFF0];
	v1 =	vperm.xlane v1, v0  }
0x14b: {  	v4 =	vld [tilespmem:s6+$0xFFFFFE70]  }
0x14c: {  	[tilespmem:s15+$0x90] =	vst v1  }
0x14d: {  	v1 =	vld [tilespmem:s6+$0xFFFFFEE0]  }
0x14e: {  	v2 =	vperm.xlane v2, v0  }
0x14f: {  	v3 =	vperm.xlane v3, v0  }
0x150: {  	v4 =	vperm.xlane v4, v0;
	[tilespmem:s15+$0xFFFFFF10] =	vst v2  }
0x151: {  	[tilespmem:s15+$0xFFFFFF90] =	vst v3;
	v2 =	vld [tilespmem:s6+$0xFFFFFF60]  }
0x152: {  	[tilespmem:s15+$0x10] =	vst v4;
	v3 =	vld [tilespmem:s6+$0xFFFFFFE0];
	v1 =	vperm.xlane v1, v0  }
0x153: {  	v4 =	vld [tilespmem:s6+$0xFFFFFE60]  }
0x154: {  	[tilespmem:s15+$0xA0] =	vst v1  }
0x155: {  	v1 =	vld [tilespmem:s6+$0xFFFFFED0]  }
0x156: {  	v2 =	vperm.xlane v2, v0  }
0x157: {  	v3 =	vperm.xlane v3, v0  }
0x158: {  	v4 =	vperm.xlane v4, v0;
	[tilespmem:s15+$0xFFFFFF20] =	vst v2  }
0x159: {  	[tilespmem:s15+$0xFFFFFFA0] =	vst v3;
	v2 =	vld [tilespmem:s6+$0xFFFFFF50]  }
0x15a: {  	[tilespmem:s15+$0x20] =	vst v4;
	v3 =	vld [tilespmem:s6+$0xFFFFFFD0];
	v1 =	vperm.xlane v1, v0  }
0x15b: {  	s16 =	simm.s32 $0x5DF0;
	v4 =	vld [tilespmem:s6+$0xFFFFFE50]  }
0x15c: {  	[tilespmem:s15+$0xB0] =	vst v1;
	v1 =	vld [tilespmem:s16+$0xFFFFFF00]  }
0x15d: {  	v5 =	vld [tilespmem:s6+$0xFFFFFEC0]  }
0x15e: {  	v6 =	vld [tilespmem:s16+$0x0];
	v2 =	vperm.xlane v2, v0  }
0x15f: {  	v7 =	vld [tilespmem:s16+$0xFFFFFE80];
	v3 =	vperm.xlane v3, v0  }
0x160: {  	v4 =	vperm.xlane v4, v0;
	[tilespmem:s15+$0xFFFFFF30] =	vst v2;
	v2 =	vld [tilespmem:s16+$0xFFFFFF80]  }
0x161: {  	[tilespmem:s15+$0xFFFFFFB0] =	vst v3;
	v3 =	vld [tilespmem:s6+$0xFFFFFF40];
	v1 =	vperm.xlane v1, v0  }
0x162: {  	s7 =	simm.s32 $0xC300;
	[tilespmem:s15+$0x30] =	vst v4;
	v4 =	vld [tilespmem:s6+$0xFFFFFFC0];
	v5 =	vperm.xlane v5, v0  }
0x163: {  	v6 =	vperm.xlane v6, v0;
	[tilespmem:s7+$0x80] =	vst v1;
	v1 =	vld [tilespmem:s6+$0xFFFFFE40]  }
0x164: {  	v7 =	vperm.xlane v7, v0;
	v8 =	vld [tilespmem:s16+$0xFFFFFEF0];
	[tilespmem:s15+$0xC0] =	vst v5  }
0x165: {  	[tilespmem:s7+$0xFFFFFF80] =	vst v6;
	v2 =	vperm.xlane v2, v0;
	v5 =	vld [tilespmem:s6+$0xFFFFFEB0]  }
0x166: {  	[tilespmem:s7+$0x0] =	vst v7;
	v6 =	vld [tilespmem:s16+$0xFFFFFFF0];
	v3 =	vperm.xlane v3, v0  }
0x167: {  	v4 =	vperm.xlane v4, v0;
	[tilespmem:s7+$0xFFFFFF00] =	vst v2;
	v2 =	vld [tilespmem:s16+$0xFFFFFE70]  }
0x168: {  	v7 =	vld [tilespmem:s16+$0xFFFFFF70];
	[tilespmem:s15+$0xFFFFFF40] =	vst v3;
	v1 =	vperm.xlane v1, v0  }
0x169: {  	[tilespmem:s15+$0xFFFFFFC0] =	vst v4;
	v3 =	vperm.xlane v8, v0;
	v8 =	vld [tilespmem:s6+$0xFFFFFF30]  }
0x16a: {  	v4 =	vld [tilespmem:s6+$0xFFFFFFB0];
	[tilespmem:s15+$0x40] =	vst v1;
	v1 =	vperm.xlane v5, v0  }
0x16b: {  	v5 =	vperm.xlane v6, v0;
	[tilespmem:s7+$0x90] =	vst v3;
	v3 =	vld [tilespmem:s6+$0xFFFFFE30]  }
0x16c: {  	v2 =	vperm.xlane v2, v0;
	v6 =	vld [tilespmem:s16+$0xFFFFFEE0];
	[tilespmem:s15+$0xD0] =	vst v1  }
0x16d: {  	v1 =	vperm.xlane v7, v0;
	[tilespmem:s7+$0xFFFFFF90] =	vst v5;
	v5 =	vld [tilespmem:s6+$0xFFFFFEA0]  }
0x16e: {  	[tilespmem:s7+$0x10] =	vst v2;
	v7 =	vld [tilespmem:s16+$0xFFFFFFE0];
	v2 =	vperm.xlane v8, v0  }
0x16f: {  	v4 =	vperm.xlane v4, v0;
	[tilespmem:s7+$0xFFFFFF10] =	vst v1;
	v1 =	vld [tilespmem:s16+$0xFFFFFE60]  }
0x170: {  	v8 =	vld [tilespmem:s16+$0xFFFFFF60];
	[tilespmem:s15+$0xFFFFFF50] =	vst v2;
	v2 =	vperm.xlane v3, v0  }
0x171: {  	[tilespmem:s15+$0xFFFFFFD0] =	vst v4;
	v3 =	vperm.xlane v6, v0;
	v6 =	vld [tilespmem:s6+$0xFFFFFF20]  }
0x172: {  	v4 =	vld [tilespmem:s6+$0xFFFFFFA0];
	[tilespmem:s15+$0x50] =	vst v2;
	v2 =	vperm.xlane v5, v0  }
0x173: {  	v5 =	vperm.xlane v7, v0;
	[tilespmem:s7+$0xA0] =	vst v3;
	v3 =	vld [tilespmem:s6+$0xFFFFFE20]  }
0x174: {  	v1 =	vperm.xlane v1, v0;
	v7 =	vld [tilespmem:s16+$0xFFFFFED0];
	[tilespmem:s15+$0xE0] =	vst v2  }
0x175: {  	v2 =	vperm.xlane v8, v0;
	[tilespmem:s7+$0xFFFFFFA0] =	vst v5;
	v8 =	vld [tilespmem:s6+$0xFFFFFE90]  }
0x176: {  	v9 =	vld [tilespmem:s16+$0xFFFFFFD0];
	[tilespmem:s7+$0x20] =	vst v1;
	v1 =	vperm.xlane v6, v0  }
0x177: {  	v4 =	vperm.xlane v4, v0;
	[tilespmem:s7+$0xFFFFFF20] =	vst v2;
	v5 =	vld [tilespmem:s16+$0xFFFFFE50]  }
0x178: {  	v6 =	vld [tilespmem:s16+$0xFFFFFF50];
	[tilespmem:s15+$0xFFFFFF60] =	vst v1;
	v3 =	vperm.xlane v3, v0  }
0x179: {  	[tilespmem:s15+$0xFFFFFFE0] =	vst v4;
	v10 =	vperm.xlane v7, v0;
	v2 =	vld [tilespmem:s6+$0xFFFFFF10]  }
0x17a: {  	v1 =	vld [tilespmem:s6+$0xFFFFFF90];
	[tilespmem:s15+$0x60] =	vst v3;
	v4 =	vperm.xlane v8, v0  }
0x17b: {  	s9 =	simm.s32 $0x4;
	s14 =	simm.s32 $0x5BF0;
	s8 =	sor.u32 $0x2, s1;
	v7 =	vperm.xlane v9, v0;
	[tilespmem:s7+$0xB0] =	vst v10;
	v3 =	vld [tilespmem:s6+$0xFFFFFE10]  }
.LBB2_7:
0x17c: {  	v8 =	vld [tilespmem:s14+$0xFFFFFF00];
	v5 =	vperm.xlane v5, v0;
	[tilespmem:s15+$0xF0] =	vst v4  }
0x17d: {  	s9 =	sadd.s32 $0x4, s9;
	v4 =	vperm.xlane v6, v0;
	[tilespmem:s7+$0xFFFFFFB0] =	vst v7;
	v6 =	vld [tilespmem:s16+$0xFFFFFEC0]  }
0x17e: {  	p2 =	slt.u32 s9, $0x3C;
	v7 =	vld [tilespmem:s14+$0x0];
	[tilespmem:s7+$0x30] =	vst v5;
	v2 =	vperm.xlane v2, v0  }
0x17f: {  	v5 =	vld [tilespmem:s14+$0xFFFFFE80];
	[tilespmem:s7+$0xFFFFFF30] =	vst v4;
	v1 =	vperm.xlane v1, v0  }
0x180: {  	v4 =	vld [tilespmem:s14+$0xFFFFFF80];
	[tilespmem:s15+$0xFFFFFF70] =	vst v2;
	v2 =	vperm.xlane v3, v0  }
0x181: {  	v3 =	vperm.xlane v8, v0;
	v8 =	vld [tilespmem:s16+$0xFFFFFF40];
	[tilespmem:s15+$0xFFFFFFF0] =	vst v1  }
0x182: {  	v1 =	vld [tilespmem:s16+$0xFFFFFFC0];
	v6 =	vperm.xlane v6, v0;
	[tilespmem:s15+$0x70] =	vst v2;
	s15 =	smov.u32 s7;
	s7 =	sadd.s32 $0x200, s7  }
0x183: {  	v2 =	vperm.xlane v7, v0;
	[tilespmem:s7+$0x80] =	vst v3;
	v3 =	vld [tilespmem:s16+$0xFFFFFE40]  }
0x184: {  	v5 =	vperm.xlane v5, v0;
	v7 =	vld [tilespmem:s14+$0xFFFFFEF0];
	[tilespmem:s15+$0xC0] =	vst v6  }
0x185: {  	v4 =	vperm.xlane v4, v0;
	[tilespmem:s7+$0xFFFFFF80] =	vst v2;
	v2 =	vld [tilespmem:s16+$0xFFFFFEB0]  }
0x186: {  	v6 =	vld [tilespmem:s14+$0xFFFFFFF0];
	[tilespmem:s7+$0x0] =	vst v5;
	v5 =	vperm.xlane v8, v0  }
0x187: {  	[tilespmem:s7+$0xFFFFFF00] =	vst v4;
	v4 =	vld [tilespmem:s14+$0xFFFFFE70];
	v1 =	vperm.xlane v1, v0  }
0x188: {  	v8 =	vld [tilespmem:s14+$0xFFFFFF70];
	[tilespmem:s15+$0xFFFFFF40] =	vst v5;
	v3 =	vperm.xlane v3, v0  }
0x189: {  	v5 =	vperm.xlane v7, v0;
	v7 =	vld [tilespmem:s16+$0xFFFFFF30];
	[tilespmem:s15+$0xFFFFFFC0] =	vst v1  }
0x18a: {  	v1 =	vld [tilespmem:s16+$0xFFFFFFB0];
	[tilespmem:s15+$0x40] =	vst v3;
	v2 =	vperm.xlane v2, v0  }
0x18b: {  	v3 =	vperm.xlane v6, v0;
	[tilespmem:s7+$0x90] =	vst v5;
	v5 =	vld [tilespmem:s16+$0xFFFFFE30]  }
0x18c: {  	v4 =	vperm.xlane v4, v0;
	v6 =	vld [tilespmem:s14+$0xFFFFFEE0];
	[tilespmem:s15+$0xD0] =	vst v2  }
0x18d: {  	v2 =	vperm.xlane v8, v0;
	[tilespmem:s7+$0xFFFFFF90] =	vst v3;
	v3 =	vld [tilespmem:s16+$0xFFFFFEA0]  }
0x18e: {  	v8 =	vld [tilespmem:s14+$0xFFFFFFE0];
	[tilespmem:s7+$0x10] =	vst v4;
	v4 =	vperm.xlane v7, v0  }
0x18f: {  	[tilespmem:s7+$0xFFFFFF10] =	vst v2;
	v2 =	vld [tilespmem:s14+$0xFFFFFE60];
	v1 =	vperm.xlane v1, v0  }
0x190: {  	v7 =	vld [tilespmem:s14+$0xFFFFFF60];
	[tilespmem:s15+$0xFFFFFF50] =	vst v4;
	v4 =	vperm.xlane v5, v0  }
0x191: {  	v5 =	vperm.xlane v6, v0;
	v6 =	vld [tilespmem:s16+$0xFFFFFF20];
	[tilespmem:s15+$0xFFFFFFD0] =	vst v1  }
0x192: {  	v1 =	vld [tilespmem:s16+$0xFFFFFFA0];
	[tilespmem:s15+$0x50] =	vst v4;
	v3 =	vperm.xlane v3, v0  }
0x193: {  	v4 =	vperm.xlane v8, v0;
	[tilespmem:s7+$0xA0] =	vst v5;
	v8 =	vld [tilespmem:s16+$0xFFFFFE20]  }
0x194: {  	v2 =	vperm.xlane v2, v0;
	v9 =	vld [tilespmem:s14+$0xFFFFFED0];
	[tilespmem:s15+$0xE0] =	vst v3  }
0x195: {  	v3 =	vperm.xlane v7, v0;
	[tilespmem:s7+$0xFFFFFFA0] =	vst v4;
	v4 =	vld [tilespmem:s16+$0xFFFFFE90]  }
0x196: {  	v7 =	vld [tilespmem:s14+$0xFFFFFFD0];
	[tilespmem:s7+$0x20] =	vst v2;
	v2 =	vperm.xlane v6, v0  }
.Ltmp4:
0x197: {  	[tilespmem:s7+$0xFFFFFF20] =	vst v3;
	v5 =	vld [tilespmem:s14+$0xFFFFFE50];
	v1 =	vperm.xlane v1, v0;
	(pc) =	sbr.rel @p2 .LBB2_7-.Ltmp4, $4  }
0x198: {  	v6 =	vld [tilespmem:s14+$0xFFFFFF50];
	[tilespmem:s15+$0xFFFFFF60] =	vst v2;
	v3 =	vperm.xlane v8, v0  }
0x199: {  	v8 =	vperm.xlane v9, v0;
	v2 =	vld [tilespmem:s16+$0xFFFFFF10];
	[tilespmem:s15+$0xFFFFFFE0] =	vst v1  }
0x19a: {  	v1 =	vld [tilespmem:s16+$0xFFFFFF90];
	[tilespmem:s15+$0x60] =	vst v3;
	v4 =	vperm.xlane v4, v0  }
0x19b: {  	v7 =	vperm.xlane v7, v0;
	[tilespmem:s7+$0xB0] =	vst v8;
	v3 =	vld [tilespmem:s16+$0xFFFFFE10];
	s16 =	smov.u32 s14;
	s14 =	sadd.s32 $0xFFFFFE00, s14  }
0x19c: {  	_ = 	snop  }
0x19d: {  	v6 =	vperm.xlane v6, v0;
	_ =	sdelay $0x1  }
0x19e: {  	v5 =	vperm.xlane v5, v0;
	v8 =	vld [tilespmem:s16+$0xFFFFFEC0];
	[tilespmem:s7+$0xFFFFFF30] =	vst v6  }
0x19f: {  	[tilespmem:s7+$0xFFFFFFB0] =	vst v7;
	v6 =	vld [tilespmem:s16+$0xFFFFFF40]  }
0x1a0: {  	[tilespmem:s7+$0x30] =	vst v5;
	v5 =	vld [tilespmem:s16+$0xFFFFFFC0]  }
0x1a1: {  	v7 =	vld [tilespmem:s16+$0xFFFFFE40];
	_ =	sdelay $0x1  }
0x1a2: {  	v8 =	vperm.xlane v8, v0  }
0x1a3: {  	v6 =	vperm.xlane v6, v0  }
0x1a4: {  	[tilespmem:s7+$0xC0] =	vst v8;
	v5 =	vperm.xlane v5, v0  }
0x1a5: {  	v8 =	vld [tilespmem:s16+$0xFFFFFEB0];
	[tilespmem:s7+$0xFFFFFF40] =	vst v6;
	v6 =	vperm.xlane v7, v0  }
0x1a6: {  	[tilespmem:s7+$0xFFFFFFC0] =	vst v5;
	v7 =	vld [tilespmem:s16+$0xFFFFFF30]  }
0x1a7: {  	v5 =	vld [tilespmem:s16+$0xFFFFFFB0];
	[tilespmem:s7+$0x40] =	vst v6  }
0x1a8: {  	v6 =	vld [tilespmem:s16+$0xFFFFFE30];
	_ =	sdelay $0x1  }
0x1a9: {  	v8 =	vperm.xlane v8, v0  }
0x1aa: {  	v7 =	vperm.xlane v7, v0  }
0x1ab: {  	[tilespmem:s7+$0xD0] =	vst v8;
	v5 =	vperm.xlane v5, v0  }
0x1ac: {  	v8 =	vld [tilespmem:s16+$0xFFFFFEA0];
	[tilespmem:s7+$0xFFFFFF50] =	vst v7;
	v6 =	vperm.xlane v6, v0  }
0x1ad: {  	[tilespmem:s7+$0xFFFFFFD0] =	vst v5;
	v7 =	vld [tilespmem:s16+$0xFFFFFF20]  }
0x1ae: {  	v5 =	vld [tilespmem:s16+$0xFFFFFFA0];
	[tilespmem:s7+$0x50] =	vst v6  }
0x1af: {  	v6 =	vld [tilespmem:s16+$0xFFFFFE20];
	_ =	sdelay $0x1  }
0x1b0: {  	v8 =	vperm.xlane v8, v0  }
0x1b1: {  	v7 =	vperm.xlane v7, v0  }
0x1b2: {  	[tilespmem:s7+$0xE0] =	vst v8;
	v5 =	vperm.xlane v5, v0  }
0x1b3: {  	v8 =	vld [tilespmem:s16+$0xFFFFFE90];
	[tilespmem:s7+$0xFFFFFF60] =	vst v7;
	v6 =	vperm.xlane v6, v0  }
0x1b4: {  	[tilespmem:s7+$0xFFFFFFE0] =	vst v5;
	v7 =	vld [tilespmem:s16+$0xFFFFFF10]  }
0x1b5: {  	v2 =	vperm.xlane v2, v0;
	v5 =	vld [tilespmem:s16+$0xFFFFFF90];
	[tilespmem:s7+$0x60] =	vst v6  }
0x1b6: {  	[tilespmem:s15+$0xF0] =	vst v4;
	v1 =	vperm.xlane v1, v0;
	v4 =	vld [tilespmem:s16+$0xFFFFFE10]  }
0x1b7: {  	[tilespmem:s15+$0xFFFFFF70] =	vst v2;
	v2 =	vperm.xlane v3, v0  }
0x1b8: {  	[tilespmem:s15+$0xFFFFFFF0] =	vst v1;
	v1 =	vperm.xlane v8, v0  }
0x1b9: {  	[tilespmem:s15+$0x70] =	vst v2;
	v2 =	vperm.xlane v7, v0  }
0x1ba: {  	[tilespmem:s7+$0xF0] =	vst v1;
	v1 =	vperm.xlane v5, v0  }
0x1bb: {  	s6 =	sadd.s32 s5, s8;
	[tilespmem:s7+$0xFFFFFF70] =	vst v2;
	v2 =	vperm.xlane v4, v0  }
0x1bc: {  	s6 =	sshll.u32 s6, $0xA;
	[tilespmem:s7+$0xFFFFFFF0] =	vst v1  }
0x1bd: {  	s6 =	sadd.s32 s3, s6;
	[tilespmem:s7+$0x70] =	vst v2  }
0x1be: {  	[hbm4b:s6+s4] =	stream.linear.scatter [tilespmem:s23], [sflag:$0x7], $0x2000, $0x38;
	[tilespmem:$0x10000] =	vst v63  }
0x1bf: {  	s6 =	sadd.s32 @!p1 s1, s12  }
0x1c0: {  	s6 =	sshll.u32 @!p1 s6, $0xA  }
0x1c1: {  	s8 =	simm.s32 @!p1 $0x4000;
	s7 =	simm.s32 @!p1 $0x0;
	s6 =	sadd.s32 @!p1 s2, s6  }
0x1c2: {  	[tilespmem:s8], [sflag:$0x3] =	stream.linear.gather @!p1 [hbm4b:s6+s7], $0x2000, $0x38;
	[tilespmem:$0x10000] =	vst v63  }
0x1c3: {  	_ =	swait.ge [sflag:s24], $0x2000  }
0x1c4: {  	[sflag:s24] =	ssyncset.done $0x0  }
0x1c5: {  	s6 =	simm.s32 @!p0 $0x8;
	[sflag:s24] =	ssyncadd.s32 $0xFFFFE000  }
0x1c6: {  	_ =	swait.ge @!p0 [sflag:s6], $0x2000  }
0x1c7: {  	[sflag:s6] =	ssyncset.done @!p0 $0x0  }
0x1c8: {  	[sflag:s6] =	ssyncadd.s32 @!p0 $0xFFFFE000;
	s6 =	simm.s32 $0x7FF0  }
0x1c9: {  	v1 =	vld [tilespmem:s6+$0xFFFFFF00];
	_ =	sdelay $0x3  }
0x1ca: {  	v2 =	vld [tilespmem:s6+$0xFFFFFF80]  }
0x1cb: {  	v3 =	vld [tilespmem:s6+$0x0];
	v1 =	vperm.xlane v1, v0  }
0x1cc: {  	s15 =	simm.s32 $0xE100;
	v4 =	vld [tilespmem:s6+$0xFFFFFE80]  }
0x1cd: {  	[tilespmem:s15+$0x80] =	vst v1  }
0x1ce: {  	v1 =	vld [tilespmem:s6+$0xFFFFFEF0]  }
0x1cf: {  	v2 =	vperm.xlane v2, v0  }
0x1d0: {  	v3 =	vperm.xlane v3, v0  }
0x1d1: {  	v4 =	vperm.xlane v4, v0;
	[tilespmem:s15+$0xFFFFFF00] =	vst v2  }
0x1d2: {  	[tilespmem:s15+$0xFFFFFF80] =	vst v3;
	v2 =	vld [tilespmem:s6+$0xFFFFFF70]  }
0x1d3: {  	[tilespmem:s15+$0x0] =	vst v4;
	v3 =	vld [tilespmem:s6+$0xFFFFFFF0];
	v1 =	vperm.xlane v1, v0  }
0x1d4: {  	v4 =	vld [tilespmem:s6+$0xFFFFFE70]  }
0x1d5: {  	[tilespmem:s15+$0x90] =	vst v1  }
0x1d6: {  	v1 =	vld [tilespmem:s6+$0xFFFFFEE0]  }
0x1d7: {  	v2 =	vperm.xlane v2, v0  }
0x1d8: {  	v3 =	vperm.xlane v3, v0  }
0x1d9: {  	v4 =	vperm.xlane v4, v0;
	[tilespmem:s15+$0xFFFFFF10] =	vst v2  }
0x1da: {  	[tilespmem:s15+$0xFFFFFF90] =	vst v3;
	v2 =	vld [tilespmem:s6+$0xFFFFFF60]  }
0x1db: {  	[tilespmem:s15+$0x10] =	vst v4;
	v3 =	vld [tilespmem:s6+$0xFFFFFFE0];
	v1 =	vperm.xlane v1, v0  }
0x1dc: {  	v4 =	vld [tilespmem:s6+$0xFFFFFE60]  }
0x1dd: {  	[tilespmem:s15+$0xA0] =	vst v1  }
0x1de: {  	v1 =	vld [tilespmem:s6+$0xFFFFFED0]  }
0x1df: {  	v2 =	vperm.xlane v2, v0  }
0x1e0: {  	v3 =	vperm.xlane v3, v0  }
0x1e1: {  	v4 =	vperm.xlane v4, v0;
	[tilespmem:s15+$0xFFFFFF20] =	vst v2  }
0x1e2: {  	[tilespmem:s15+$0xFFFFFFA0] =	vst v3;
	v2 =	vld [tilespmem:s6+$0xFFFFFF50]  }
0x1e3: {  	[tilespmem:s15+$0x20] =	vst v4;
	v3 =	vld [tilespmem:s6+$0xFFFFFFD0];
	v1 =	vperm.xlane v1, v0  }
0x1e4: {  	s16 =	simm.s32 $0x7DF0;
	v4 =	vld [tilespmem:s6+$0xFFFFFE50]  }
0x1e5: {  	[tilespmem:s15+$0xB0] =	vst v1;
	v1 =	vld [tilespmem:s16+$0xFFFFFF00]  }
0x1e6: {  	v5 =	vld [tilespmem:s6+$0xFFFFFEC0]  }
0x1e7: {  	v6 =	vld [tilespmem:s16+$0x0];
	v2 =	vperm.xlane v2, v0  }
0x1e8: {  	v7 =	vld [tilespmem:s16+$0xFFFFFE80];
	v3 =	vperm.xlane v3, v0  }
0x1e9: {  	v4 =	vperm.xlane v4, v0;
	[tilespmem:s15+$0xFFFFFF30] =	vst v2;
	v2 =	vld [tilespmem:s16+$0xFFFFFF80]  }
0x1ea: {  	[tilespmem:s15+$0xFFFFFFB0] =	vst v3;
	v3 =	vld [tilespmem:s6+$0xFFFFFF40];
	v1 =	vperm.xlane v1, v0  }
0x1eb: {  	s7 =	simm.s32 $0xE300;
	[tilespmem:s15+$0x30] =	vst v4;
	v4 =	vld [tilespmem:s6+$0xFFFFFFC0];
	v5 =	vperm.xlane v5, v0  }
0x1ec: {  	v6 =	vperm.xlane v6, v0;
	[tilespmem:s7+$0x80] =	vst v1;
	v1 =	vld [tilespmem:s6+$0xFFFFFE40]  }
0x1ed: {  	v7 =	vperm.xlane v7, v0;
	v8 =	vld [tilespmem:s16+$0xFFFFFEF0];
	[tilespmem:s15+$0xC0] =	vst v5  }
0x1ee: {  	[tilespmem:s7+$0xFFFFFF80] =	vst v6;
	v2 =	vperm.xlane v2, v0;
	v5 =	vld [tilespmem:s6+$0xFFFFFEB0]  }
0x1ef: {  	[tilespmem:s7+$0x0] =	vst v7;
	v6 =	vld [tilespmem:s16+$0xFFFFFFF0];
	v3 =	vperm.xlane v3, v0  }
0x1f0: {  	v4 =	vperm.xlane v4, v0;
	[tilespmem:s7+$0xFFFFFF00] =	vst v2;
	v2 =	vld [tilespmem:s16+$0xFFFFFE70]  }
0x1f1: {  	v7 =	vld [tilespmem:s16+$0xFFFFFF70];
	[tilespmem:s15+$0xFFFFFF40] =	vst v3;
	v1 =	vperm.xlane v1, v0  }
0x1f2: {  	[tilespmem:s15+$0xFFFFFFC0] =	vst v4;
	v3 =	vperm.xlane v8, v0;
	v8 =	vld [tilespmem:s6+$0xFFFFFF30]  }
0x1f3: {  	v4 =	vld [tilespmem:s6+$0xFFFFFFB0];
	[tilespmem:s15+$0x40] =	vst v1;
	v1 =	vperm.xlane v5, v0  }
0x1f4: {  	v5 =	vperm.xlane v6, v0;
	[tilespmem:s7+$0x90] =	vst v3;
	v3 =	vld [tilespmem:s6+$0xFFFFFE30]  }
0x1f5: {  	v2 =	vperm.xlane v2, v0;
	v6 =	vld [tilespmem:s16+$0xFFFFFEE0];
	[tilespmem:s15+$0xD0] =	vst v1  }
0x1f6: {  	v1 =	vperm.xlane v7, v0;
	[tilespmem:s7+$0xFFFFFF90] =	vst v5;
	v5 =	vld [tilespmem:s6+$0xFFFFFEA0]  }
0x1f7: {  	[tilespmem:s7+$0x10] =	vst v2;
	v7 =	vld [tilespmem:s16+$0xFFFFFFE0];
	v2 =	vperm.xlane v8, v0  }
0x1f8: {  	v4 =	vperm.xlane v4, v0;
	[tilespmem:s7+$0xFFFFFF10] =	vst v1;
	v1 =	vld [tilespmem:s16+$0xFFFFFE60]  }
0x1f9: {  	v8 =	vld [tilespmem:s16+$0xFFFFFF60];
	[tilespmem:s15+$0xFFFFFF50] =	vst v2;
	v2 =	vperm.xlane v3, v0  }
0x1fa: {  	[tilespmem:s15+$0xFFFFFFD0] =	vst v4;
	v3 =	vperm.xlane v6, v0;
	v6 =	vld [tilespmem:s6+$0xFFFFFF20]  }
0x1fb: {  	v4 =	vld [tilespmem:s6+$0xFFFFFFA0];
	[tilespmem:s15+$0x50] =	vst v2;
	v2 =	vperm.xlane v5, v0  }
0x1fc: {  	v5 =	vperm.xlane v7, v0;
	[tilespmem:s7+$0xA0] =	vst v3;
	v3 =	vld [tilespmem:s6+$0xFFFFFE20]  }
0x1fd: {  	v1 =	vperm.xlane v1, v0;
	v7 =	vld [tilespmem:s16+$0xFFFFFED0];
	[tilespmem:s15+$0xE0] =	vst v2  }
0x1fe: {  	v2 =	vperm.xlane v8, v0;
	[tilespmem:s7+$0xFFFFFFA0] =	vst v5;
	v8 =	vld [tilespmem:s6+$0xFFFFFE90]  }
0x1ff: {  	v9 =	vld [tilespmem:s16+$0xFFFFFFD0];
	[tilespmem:s7+$0x20] =	vst v1;
	v1 =	vperm.xlane v6, v0  }
0x200: {  	v4 =	vperm.xlane v4, v0;
	[tilespmem:s7+$0xFFFFFF20] =	vst v2;
	v5 =	vld [tilespmem:s16+$0xFFFFFE50]  }
0x201: {  	v6 =	vld [tilespmem:s16+$0xFFFFFF50];
	[tilespmem:s15+$0xFFFFFF60] =	vst v1;
	v3 =	vperm.xlane v3, v0  }
0x202: {  	[tilespmem:s15+$0xFFFFFFE0] =	vst v4;
	v10 =	vperm.xlane v7, v0;
	v2 =	vld [tilespmem:s6+$0xFFFFFF10]  }
0x203: {  	v1 =	vld [tilespmem:s6+$0xFFFFFF90];
	[tilespmem:s15+$0x60] =	vst v3;
	v4 =	vperm.xlane v8, v0  }
0x204: {  	s9 =	simm.s32 $0x4;
	s14 =	simm.s32 $0x7BF0;
	s8 =	sor.u32 $0x3, s1;
	v7 =	vperm.xlane v9, v0;
	[tilespmem:s7+$0xB0] =	vst v10;
	v3 =	vld [tilespmem:s6+$0xFFFFFE10]  }
.LBB2_9:
0x205: {  	v8 =	vld [tilespmem:s14+$0xFFFFFF00];
	v5 =	vperm.xlane v5, v0;
	[tilespmem:s15+$0xF0] =	vst v4  }
0x206: {  	s9 =	sadd.s32 $0x4, s9;
	v4 =	vperm.xlane v6, v0;
	[tilespmem:s7+$0xFFFFFFB0] =	vst v7;
	v6 =	vld [tilespmem:s16+$0xFFFFFEC0]  }
0x207: {  	p0 =	slt.u32 s9, $0x3C;
	v7 =	vld [tilespmem:s14+$0x0];
	[tilespmem:s7+$0x30] =	vst v5;
	v2 =	vperm.xlane v2, v0  }
0x208: {  	v5 =	vld [tilespmem:s14+$0xFFFFFE80];
	[tilespmem:s7+$0xFFFFFF30] =	vst v4;
	v1 =	vperm.xlane v1, v0  }
0x209: {  	v4 =	vld [tilespmem:s14+$0xFFFFFF80];
	[tilespmem:s15+$0xFFFFFF70] =	vst v2;
	v2 =	vperm.xlane v3, v0  }
0x20a: {  	v3 =	vperm.xlane v8, v0;
	v8 =	vld [tilespmem:s16+$0xFFFFFF40];
	[tilespmem:s15+$0xFFFFFFF0] =	vst v1  }
0x20b: {  	v1 =	vld [tilespmem:s16+$0xFFFFFFC0];
	v6 =	vperm.xlane v6, v0;
	[tilespmem:s15+$0x70] =	vst v2;
	s15 =	smov.u32 s7;
	s7 =	sadd.s32 $0x200, s7  }
0x20c: {  	v2 =	vperm.xlane v7, v0;
	[tilespmem:s7+$0x80] =	vst v3;
	v3 =	vld [tilespmem:s16+$0xFFFFFE40]  }
0x20d: {  	v5 =	vperm.xlane v5, v0;
	v7 =	vld [tilespmem:s14+$0xFFFFFEF0];
	[tilespmem:s15+$0xC0] =	vst v6  }
0x20e: {  	v4 =	vperm.xlane v4, v0;
	[tilespmem:s7+$0xFFFFFF80] =	vst v2;
	v2 =	vld [tilespmem:s16+$0xFFFFFEB0]  }
0x20f: {  	v6 =	vld [tilespmem:s14+$0xFFFFFFF0];
	[tilespmem:s7+$0x0] =	vst v5;
	v5 =	vperm.xlane v8, v0  }
0x210: {  	[tilespmem:s7+$0xFFFFFF00] =	vst v4;
	v4 =	vld [tilespmem:s14+$0xFFFFFE70];
	v1 =	vperm.xlane v1, v0  }
0x211: {  	v8 =	vld [tilespmem:s14+$0xFFFFFF70];
	[tilespmem:s15+$0xFFFFFF40] =	vst v5;
	v3 =	vperm.xlane v3, v0  }
0x212: {  	v5 =	vperm.xlane v7, v0;
	v7 =	vld [tilespmem:s16+$0xFFFFFF30];
	[tilespmem:s15+$0xFFFFFFC0] =	vst v1  }
0x213: {  	v1 =	vld [tilespmem:s16+$0xFFFFFFB0];
	[tilespmem:s15+$0x40] =	vst v3;
	v2 =	vperm.xlane v2, v0  }
0x214: {  	v3 =	vperm.xlane v6, v0;
	[tilespmem:s7+$0x90] =	vst v5;
	v5 =	vld [tilespmem:s16+$0xFFFFFE30]  }
0x215: {  	v4 =	vperm.xlane v4, v0;
	v6 =	vld [tilespmem:s14+$0xFFFFFEE0];
	[tilespmem:s15+$0xD0] =	vst v2  }
0x216: {  	v2 =	vperm.xlane v8, v0;
	[tilespmem:s7+$0xFFFFFF90] =	vst v3;
	v3 =	vld [tilespmem:s16+$0xFFFFFEA0]  }
0x217: {  	v8 =	vld [tilespmem:s14+$0xFFFFFFE0];
	[tilespmem:s7+$0x10] =	vst v4;
	v4 =	vperm.xlane v7, v0  }
0x218: {  	[tilespmem:s7+$0xFFFFFF10] =	vst v2;
	v2 =	vld [tilespmem:s14+$0xFFFFFE60];
	v1 =	vperm.xlane v1, v0  }
0x219: {  	v7 =	vld [tilespmem:s14+$0xFFFFFF60];
	[tilespmem:s15+$0xFFFFFF50] =	vst v4;
	v4 =	vperm.xlane v5, v0  }
0x21a: {  	v5 =	vperm.xlane v6, v0;
	v6 =	vld [tilespmem:s16+$0xFFFFFF20];
	[tilespmem:s15+$0xFFFFFFD0] =	vst v1  }
0x21b: {  	v1 =	vld [tilespmem:s16+$0xFFFFFFA0];
	[tilespmem:s15+$0x50] =	vst v4;
	v3 =	vperm.xlane v3, v0  }
0x21c: {  	v4 =	vperm.xlane v8, v0;
	[tilespmem:s7+$0xA0] =	vst v5;
	v8 =	vld [tilespmem:s16+$0xFFFFFE20]  }
0x21d: {  	v2 =	vperm.xlane v2, v0;
	v9 =	vld [tilespmem:s14+$0xFFFFFED0];
	[tilespmem:s15+$0xE0] =	vst v3  }
0x21e: {  	v3 =	vperm.xlane v7, v0;
	[tilespmem:s7+$0xFFFFFFA0] =	vst v4;
	v4 =	vld [tilespmem:s16+$0xFFFFFE90]  }
0x21f: {  	v7 =	vld [tilespmem:s14+$0xFFFFFFD0];
	[tilespmem:s7+$0x20] =	vst v2;
	v2 =	vperm.xlane v6, v0  }
.Ltmp5:
0x220: {  	[tilespmem:s7+$0xFFFFFF20] =	vst v3;
	v5 =	vld [tilespmem:s14+$0xFFFFFE50];
	v1 =	vperm.xlane v1, v0;
	(pc) =	sbr.rel @p0 .LBB2_9-.Ltmp5, $4  }
0x221: {  	v6 =	vld [tilespmem:s14+$0xFFFFFF50];
	[tilespmem:s15+$0xFFFFFF60] =	vst v2;
	v3 =	vperm.xlane v8, v0  }
0x222: {  	v8 =	vperm.xlane v9, v0;
	v2 =	vld [tilespmem:s16+$0xFFFFFF10];
	[tilespmem:s15+$0xFFFFFFE0] =	vst v1  }
0x223: {  	v1 =	vld [tilespmem:s16+$0xFFFFFF90];
	[tilespmem:s15+$0x60] =	vst v3;
	v4 =	vperm.xlane v4, v0  }
0x224: {  	v7 =	vperm.xlane v7, v0;
	[tilespmem:s7+$0xB0] =	vst v8;
	v3 =	vld [tilespmem:s16+$0xFFFFFE10];
	s16 =	smov.u32 s14;
	s14 =	sadd.s32 $0xFFFFFE00, s14  }
0x225: {  	_ = 	snop  }
0x226: {  	v6 =	vperm.xlane v6, v0;
	_ =	sdelay $0x1  }
0x227: {  	v5 =	vperm.xlane v5, v0;
	v8 =	vld [tilespmem:s16+$0xFFFFFEC0];
	[tilespmem:s7+$0xFFFFFF30] =	vst v6  }
0x228: {  	[tilespmem:s7+$0xFFFFFFB0] =	vst v7;
	v6 =	vld [tilespmem:s16+$0xFFFFFF40]  }
0x229: {  	[tilespmem:s7+$0x30] =	vst v5;
	v56 =	vld [tilespmem:s16+$0xFFFFFFC0]  }
0x22a: {  	v57 =	vld [tilespmem:s16+$0xFFFFFE40];
	_ =	sdelay $0x1  }
0x22b: {  	v8 =	vperm.xlane v8, v0  }
0x22c: {  	v6 =	vperm.xlane v6, v0  }
0x22d: {  	[tilespmem:s7+$0xC0] =	vst v8;
	v5 =	vperm.xlane v56, v0  }
0x22e: {  	v8 =	vld [tilespmem:s16+$0xFFFFFEB0];
	v58 =	vperm.xlane v57, v0;
	[tilespmem:s7+$0xFFFFFF40] =	vst v6  }
0x22f: {  	[tilespmem:s7+$0xFFFFFFC0] =	vst v5;
	v59 =	vld [tilespmem:s16+$0xFFFFFF30]  }
0x230: {  	v5 =	vld [tilespmem:s16+$0xFFFFFFB0];
	[tilespmem:s7+$0x40] =	vst v58  }
0x231: {  	v6 =	vld [tilespmem:s16+$0xFFFFFE30];
	_ =	sdelay $0x1  }
0x232: {  	v8 =	vperm.xlane v8, v0  }
0x233: {  	v7 =	vperm.xlane v59, v0  }
0x234: {  	[tilespmem:s7+$0xD0] =	vst v8;
	v5 =	vperm.xlane v5, v0  }
0x235: {  	v8 =	vld [tilespmem:s16+$0xFFFFFEA0];
	v6 =	vperm.xlane v6, v0;
	[tilespmem:s7+$0xFFFFFF50] =	vst v7  }
0x236: {  	[tilespmem:s7+$0xFFFFFFD0] =	vst v5;
	v7 =	vld [tilespmem:s16+$0xFFFFFF20]  }
0x237: {  	v5 =	vld [tilespmem:s16+$0xFFFFFFA0];
	[tilespmem:s7+$0x50] =	vst v6  }
0x238: {  	v6 =	vld [tilespmem:s16+$0xFFFFFE20];
	_ =	sdelay $0x1  }
0x239: {  	v8 =	vperm.xlane v8, v0  }
0x23a: {  	v7 =	vperm.xlane v7, v0  }
0x23b: {  	[tilespmem:s7+$0xE0] =	vst v8;
	v5 =	vperm.xlane v5, v0  }
0x23c: {  	v60 =	vld [tilespmem:s16+$0xFFFFFE90];
	v6 =	vperm.xlane v6, v0;
	[tilespmem:s7+$0xFFFFFF60] =	vst v7  }
0x23d: {  	[tilespmem:s7+$0xFFFFFFE0] =	vst v5;
	v61 =	vld [tilespmem:s16+$0xFFFFFF10]  }
0x23e: {  	v2 =	vperm.xlane v2, v0;
	[tilespmem:s7+$0x60] =	vst v6;
	v62 =	vld [tilespmem:s16+$0xFFFFFF90]  }
0x23f: {  	[tilespmem:s15+$0xF0] =	vst v4;
	v1 =	vperm.xlane v1, v0;
	v63 =	vld [tilespmem:s16+$0xFFFFFE10]  }
0x240: {  	[tilespmem:s15+$0xFFFFFF70] =	vst v2;
	v2 =	vperm.xlane v3, v0  }
0x241: {  	[tilespmem:s15+$0xFFFFFFF0] =	vst v1;
	v1 =	vperm.xlane v60, v0  }
0x242: {  	[tilespmem:s15+$0x70] =	vst v2;
	v2 =	vperm.xlane v61, v0  }
.Ltmp6:
0x243: {  	[tilespmem:s7+$0xF0] =	vst v1;
	v1 =	vperm.xlane v62, v0;
	(pc) =	sbr.rel @p1 .LBB2_12-.Ltmp6, $4  }
0x244: {  	s6 =	sadd.s32 s5, s8;
	[tilespmem:s7+$0xFFFFFF70] =	vst v2;
	v2 =	vperm.xlane v63, v0  }
0x245: {  	s6 =	sshll.u32 s6, $0xA;
	[tilespmem:s7+$0xFFFFFFF0] =	vst v1  }
0x246: {  	s6 =	sadd.s32 s3, s6;
	[tilespmem:s7+$0x70] =	vst v2  }
0x247: {  	[hbm4b:s6+s4] =	stream.linear.scatter [tilespmem:s25], [sflag:$0x8], $0x2000, $0x38;
	[tilespmem:$0x10000] =	vst v63  }
.Ltmp7:
0x248: {  	(pc) =	sbr.rel .LBB2_2-.Ltmp7, $4  }
0x249: {  	s1 =	sadd.s32 s1, s13  }
0x24a: {  	s1 =	sshll.u32 s1, $0xA  }
0x24b: {  	s0 =	sadd.s32 $0x1, s0;
	s1 =	sadd.s32 s2, s1  }
0x24c: {  	[tilespmem:s17], [sflag:$0x4] =	stream.linear.gather [hbm4b:s1+s4], $0x2000, $0x38;
	[tilespmem:$0x10000] =	vst v63  }
.LBB2_13:
0x24d: {  	_ =	sfence.sel $0x180000  }
0x24e: {  	[bflag:$0x0] =	sbarrier.arrive $0xFFFF  }
0x24f: {  	_ =	strace $0x90000047  }
0x250: {  	s0 =	stileid.u32;
	[bflag:$0x2] =	sbarrier.arrive $0xFFFF  }
0x251: {  	p0 =	sne.s32 s0, $0x0;
	s0 =	rddreg [dreg:$0x2]  }
0x252: {  	s0 =	sadd.s32 @!p0 $0x100000, s0  }
0x253: {  	[sflag:s0] =	ssyncadd.tile.s32 @!p0 $0x1;
	_ =	shalt  }
.Lfunc_end2:
_tile_overlayer_lowered:
.L_overlay_start_2:
0x254: {  	(tag) =	ssettag $0x2  }
0x255: {  	s0 =	rddreg [dreg:$0x0];
	s2 =	stileid.u32  }
0x256: {  	s1 =	rddreg [dreg:$0x1];
	p0 =	sne.s32 s2, $0x0  }
0x257: {  	s3 =	rddreg [dreg:$0x2];
	[bflag:$0x3] =	sbarrier.arrive $0xFFFF;
	s2 =	simm.s32 @!p0 $0x1C09  }
0x258: {  	[timem:s3], [sflag:s2] =	dma.local @!p0 [hbm:s0], s1  }
0x259: {  	s0 =	simm.s32 @!p0 $0x9  }
0x25a: {  	_ =	swait.ge @!p0 [sflag:s0], s1  }
0x25b: {  	s1 =	ssub.s32 @!p0 $0x0, s1;
	[sflag:s0] =	ssyncset.done @!p0 $0x0  }
0x25c: {  	[sflag:s0] =	ssyncadd.s32 @!p0 s1  }
0x25d: {  	[bflag:$0x3] =	sbarrier.arrive $0xFFFF  }
0x25e: {  	_ =	shalt  }

</sc_bundles>
